<compile_context>
chip_gen: v7x
topology: tpu7x:2x2x1
jax: 0.10.2.dev20260603
libtpu: 0.0.44.dev20260713+nightly
codegen_flags: <defaults>
</compile_context>

<pallas_src>
import jax
import jax.numpy as jnp
from jax import lax
from jax.experimental import pallas as pl
from jax.experimental.pallas import tpu as pltpu
from jax.experimental.pallas import tpu_sc as plsc

N_STATES = 2097152
N_OBVS = 6
NC, NS, L = 2, 16, 16
NW = NC * NS
S_PER_W = N_STATES // NW
CH = 4096
N_CHUNKS = S_PER_W // CH
GROUPS = CH // L

_LN2 = 0.6931471805599453


def _ln(x):
    bits = lax.bitcast_convert_type(x, jnp.int32)
    e = ((bits >> 23) & 0xFF) - 127
    m = lax.bitcast_convert_type(
        (bits & 0x007FFFFF) | 0x3F800000, jnp.float32)
    big = m > 1.4142135623730951
    m = jnp.where(big, m * 0.5, m)
    e = e + jnp.where(big, 1, 0)
    z = (m - 1.0) / (m + 1.0)
    z2 = z * z
    p = z * (2.0 + z2 * (2.0 / 3.0 + z2 * (2.0 / 5.0 + z2 * (
        2.0 / 7.0 + z2 * (2.0 / 9.0)))))
    return e.astype(jnp.float32) * _LN2 + p


def _sc_body(state_hbm, obvs_hbm, probs_hbm, out_hbm,
             st_a, st_b, out_a, out_b, ov_v, pv_v,
             sin_a, sin_b, sout_a, sout_b):
    wid = lax.axis_index("s") * NC + lax.axis_index("c")
    w0 = wid * S_PER_W
    pltpu.async_copy(state_hbm.at[pl.ds(w0, CH)], st_a, sin_a)
    pltpu.async_copy(state_hbm.at[pl.ds(w0 + CH, CH)], st_b, sin_b)
    pltpu.sync_copy(obvs_hbm, ov_v.at[pl.ds(0, N_OBVS)])
    pltpu.sync_copy(probs_hbm, pv_v.at[pl.ds(0, 3)])
    iota = lax.iota(jnp.int32, L)
    pv = jnp.where(iota < 3, pv_v[...], 1.0)
    lpv = _ln(pv)
    ov = jnp.where(iota < N_OBVS, ov_v[...], 0)
    a = jnp.sum(jnp.where(iota == 0, lpv, 0.0))
    b = jnp.sum(jnp.where(iota == 1, lpv, 0.0))
    cc = jnp.sum(jnp.where(iota == 2, lpv, 0.0))
    avec = jnp.broadcast_to(a, (L,))
    nanv = jnp.full((L,), jnp.nan, jnp.float32)
    dsplats = []
    for j in range(N_OBVS):
        oj = jnp.sum(jnp.where(iota == j, ov, 0))
        dsplats.append(jnp.broadcast_to(jnp.where(oj == 6, b, cc), (L,)))

    def step(c, stb, oub, sin, sout):
        base = w0 + c * CH
        pltpu.make_async_copy(
            state_hbm.at[pl.ds(base, CH)], stb, sin).wait()

        @pl.when(c >= 2)
        def _():
            pltpu.make_async_copy(
                oub, out_hbm.at[:, pl.ds(base - 2 * CH, CH)], sout).wait()

        @plsc.parallel_loop(0, GROUPS)
        def body(g):
            s = stb[pl.ds(L * g, L)]
            m2 = s == 2
            t = jnp.where(s == 0, nanv, avec)
            for j in range(N_OBVS):
                oub[j, pl.ds(L * g, L)] = jnp.where(m2, dsplats[j], t)

        @pl.when(c + 2 < N_CHUNKS)
        def _():
            pltpu.async_copy(
                state_hbm.at[pl.ds(base + 2 * CH, CH)], stb, sin)

        pltpu.async_copy(oub, out_hbm.at[:, pl.ds(base, CH)], sout)

    def pair(t, carry):
        step(2 * t, st_a, out_a, sin_a, sout_a)
        step(2 * t + 1, st_b, out_b, sin_b, sout_b)
        return carry

    lax.fori_loop(0, N_CHUNKS // 2, pair, 0)
    pltpu.make_async_copy(
        out_a, out_hbm.at[:, pl.ds(w0 + (N_CHUNKS - 2) * CH, CH)],
        sout_a).wait()
    pltpu.make_async_copy(
        out_b, out_hbm.at[:, pl.ds(w0 + (N_CHUNKS - 1) * CH, CH)],
        sout_b).wait()


@jax.jit
def _expand(state, obvs, probs):
    mesh = plsc.VectorSubcoreMesh(core_axis_name="c", subcore_axis_name="s",
                                  num_cores=NC, num_subcores=NS)
    f = pl.kernel(
        _sc_body,
        out_type=jax.ShapeDtypeStruct((N_OBVS, N_STATES), jnp.float32),
        mesh=mesh,
        compiler_params=pltpu.CompilerParams(needs_layout_passes=False,
                                             use_tc_tiling_on_sc=True),
        scratch_types=[
            pltpu.VMEM((CH,), jnp.int32),
            pltpu.VMEM((CH,), jnp.int32),
            pltpu.VMEM((N_OBVS, CH), jnp.float32),
            pltpu.VMEM((N_OBVS, CH), jnp.float32),
            pltpu.VMEM((L,), jnp.int32),
            pltpu.VMEM((L,), jnp.float32),
            pltpu.SemaphoreType.DMA,
            pltpu.SemaphoreType.DMA,
            pltpu.SemaphoreType.DMA,
            pltpu.SemaphoreType.DMA,
        ],
    )
    return f(state, obvs, probs)


def kernel(state, obvs, probs):
    return _expand(state, obvs, probs).T

# --- scband reference (transcript-rebuilt; emitter-appended) ---
"""Pipeline reference for scband-casino-38792144618123 (READ-ONLY COPY).

The authoritative reference and input builder live on the scoring server;
editing this copy changes nothing except your own understanding.
"""

import jax, jax.numpy as jnp
import numpy as np

N_STATES_QUERY = 2097152
N_OBVS = 6


def setup_inputs(seed: int = 0) -> dict:
    key = jax.random.key(seed)
    k1, k2 = jax.random.split(key)
    state = jax.random.randint(k1, (N_STATES_QUERY,), 0, 3, dtype=jnp.int32)
    obvs = jax.random.randint(k2, (N_OBVS,), 0, 7, dtype=jnp.int32)
    # emission probability 'parameters' hardcoded in the torch module:
    # fair die 1/6, loaded die P(6)=1/2, loaded die P(not 6)=1/10
    probs = jnp.array([1.0 / 6.0, 1.0 / 2.0, 1.0 / 10.0], dtype=jnp.float32)
    return {"state": state, "obvs": obvs, "probs": probs}


def reference(state, obvs, probs):
    # Faithful translation of Casino.emission(state, obvs, log=True).
    n = state.shape[0]
    result = jnp.full((n, N_OBVS), -99.0, dtype=jnp.float32)
    # state broadcast to (n, n_obvs), as in torch: state.unsqueeze(-1) * ones_like(result)
    sb = state[:, None] * jnp.ones((n, N_OBVS), dtype=jnp.int32)
    ob = obvs[None, :]
    result = jnp.where(sb == 1, probs[0], result)
    m2 = sb == 2
    result = jnp.where(m2 & (ob == 6), probs[1], result)
    result = jnp.where(m2 & (ob != 6), probs[2], result)
    # log=True branch; log(-99) -> nan for state==0 rows, same as torch
    return jnp.log(result)

if __name__ == "__main__":
    import jax
    _d = setup_inputs()
    print(jax.jit(kernel)(*tuple(_d.values())))

</pallas_src>

<mosaic_0001>
#map = affine_map<(d0, d1) -> (0)>
#map1 = affine_map<(d0, d1) -> (0, 0)>
module attributes {stable_mosaic.version = 14 : i64} {
  func.func @_sc_body(%arg0: i32, %arg1: i32, %arg2: memref<2097152xi32, #tpu.memory_space<hbm>>, %arg3: memref<6xi32, #tpu.memory_space<hbm>>, %arg4: memref<3xf32, #tpu.memory_space<hbm>>, %arg5: memref<6x2097152xf32, #tpu.memory_space<hbm>>, %arg6: memref<4096xi32, #tpu.memory_space<vmem>>, %arg7: memref<4096xi32, #tpu.memory_space<vmem>>, %arg8: memref<6x4096xf32, #tpu.memory_space<vmem>>, %arg9: memref<6x4096xf32, #tpu.memory_space<vmem>>, %arg10: memref<16xi32, #tpu.memory_space<vmem>>, %arg11: memref<16xf32, #tpu.memory_space<vmem>>, %arg12: memref<!tpu.dma_semaphore, #tpu.memory_space<semaphore_mem>>, %arg13: memref<!tpu.dma_semaphore, #tpu.memory_space<semaphore_mem>>, %arg14: memref<!tpu.dma_semaphore, #tpu.memory_space<semaphore_mem>>, %arg15: memref<!tpu.dma_semaphore, #tpu.memory_space<semaphore_mem>>) attributes {dimension_semantics = [#tpu.dimension_semantics<core_parallel>, #tpu.dimension_semantics<subcore_parallel>], iteration_bounds = array<i64: 2, 16>, scalar_prefetch = 0 : i64, scratch_operands = 10 : i64, tpu.core_type = #tpu.core_type<sc_vector_subcore>, window_params = [{transform_indices = #map}, {transform_indices = #map}, {transform_indices = #map}, {transform_indices = #map1}]} {
    %mul3A = arith.constant 2 : i32
    %mul3A_0 = arith.muli %arg1, %mul3A : i32
    %add3A = arith.addi %mul3A_0, %arg0 : i32
    %mul3A_1 = arith.constant 65536 : i32
    %mul3A_2 = arith.muli %add3A, %mul3A_1 : i32
    %dma_start3A = tpu.memref_slice %arg2[%mul3A_2] : memref<2097152xi32, #tpu.memory_space<hbm>> -> memref<4096xi32, #tpu.memory_space<hbm>>
    %dma_start3A_3 = tpu.memref_slice %arg2[%mul3A_2] : memref<2097152xi32, #tpu.memory_space<hbm>> -> memref<4096xi32, #tpu.memory_space<hbm>>
    tpu.enqueue_dma source(%dma_start3A_3 : memref<4096xi32, #tpu.memory_space<hbm>>) target(%arg6 : memref<4096xi32, #tpu.memory_space<vmem>>) target_semaphore(%arg12 : memref<!tpu.dma_semaphore, #tpu.memory_space<semaphore_mem>>)
    %add3A_4 = arith.constant 4096 : i32
    %add3A_5 = arith.addi %mul3A_2, %add3A_4 : i32
    %dma_start3A_6 = tpu.memref_slice %arg2[%add3A_5] : memref<2097152xi32, #tpu.memory_space<hbm>> -> memref<4096xi32, #tpu.memory_space<hbm>>
    %dma_start3A_7 = tpu.memref_slice %arg2[%add3A_5] : memref<2097152xi32, #tpu.memory_space<hbm>> -> memref<4096xi32, #tpu.memory_space<hbm>>
    tpu.enqueue_dma source(%dma_start3A_7 : memref<4096xi32, #tpu.memory_space<hbm>>) target(%arg7 : memref<4096xi32, #tpu.memory_space<vmem>>) target_semaphore(%arg13 : memref<!tpu.dma_semaphore, #tpu.memory_space<semaphore_mem>>)
    "tpu.region"() ({
      %run_scoped3A = tpu.sem_alloc : memref<!tpu.dma_semaphore, #tpu.memory_space<semaphore_mem>>
      %dma_start3A_204 = arith.constant 0 : i32
      %dma_start3A_205 = tpu.memref_slice %arg10[%dma_start3A_204] : memref<16xi32, #tpu.memory_space<vmem>> -> memref<6xi32, #tpu.memory_space<vmem>>
      %dma_start3A_206 = arith.constant 0 : i32
      %dma_start3A_207 = tpu.memref_slice %arg10[%dma_start3A_206] : memref<16xi32, #tpu.memory_space<vmem>> -> memref<6xi32, #tpu.memory_space<vmem>>
      tpu.enqueue_dma source(%arg3 : memref<6xi32, #tpu.memory_space<hbm>>) target(%dma_start3A_207 : memref<6xi32, #tpu.memory_space<vmem>>) target_semaphore(%run_scoped3A : memref<!tpu.dma_semaphore, #tpu.memory_space<semaphore_mem>>)
      %dma_wait3A_208 = arith.constant 0 : i32
      %dma_wait3A_209 = tpu.memref_slice %arg10[%dma_wait3A_208] : memref<16xi32, #tpu.memory_space<vmem>> -> memref<6xi32, #tpu.memory_space<vmem>>
      %dma_wait3A_210 = arith.constant 0 : i32
      %dma_wait3A_211 = tpu.memref_slice %arg10[%dma_wait3A_210] : memref<16xi32, #tpu.memory_space<vmem>> -> memref<6xi32, #tpu.memory_space<vmem>>
      tpu.wait_dma2 semaphore(%run_scoped3A : memref<!tpu.dma_semaphore, #tpu.memory_space<semaphore_mem>>) src(%arg3 : memref<6xi32, #tpu.memory_space<hbm>>) dst(%dma_wait3A_211 : memref<6xi32, #tpu.memory_space<vmem>>)
      tpu.yield
    }) : () -> ()
    "tpu.region"() ({
      %run_scoped3A = tpu.sem_alloc : memref<!tpu.dma_semaphore, #tpu.memory_space<semaphore_mem>>
      %dma_start3A_204 = arith.constant 0 : i32
      %dma_start3A_205 = tpu.memref_slice %arg11[%dma_start3A_204] : memref<16xf32, #tpu.memory_space<vmem>> -> memref<3xf32, #tpu.memory_space<vmem>>
      %dma_start3A_206 = arith.constant 0 : i32
      %dma_start3A_207 = tpu.memref_slice %arg11[%dma_start3A_206] : memref<16xf32, #tpu.memory_space<vmem>> -> memref<3xf32, #tpu.memory_space<vmem>>
      tpu.enqueue_dma source(%arg4 : memref<3xf32, #tpu.memory_space<hbm>>) target(%dma_start3A_207 : memref<3xf32, #tpu.memory_space<vmem>>) target_semaphore(%run_scoped3A : memref<!tpu.dma_semaphore, #tpu.memory_space<semaphore_mem>>)
      %dma_wait3A_208 = arith.constant 0 : i32
      %dma_wait3A_209 = tpu.memref_slice %arg11[%dma_wait3A_208] : memref<16xf32, #tpu.memory_space<vmem>> -> memref<3xf32, #tpu.memory_space<vmem>>
      %dma_wait3A_210 = arith.constant 0 : i32
      %dma_wait3A_211 = tpu.memref_slice %arg11[%dma_wait3A_210] : memref<16xf32, #tpu.memory_space<vmem>> -> memref<3xf32, #tpu.memory_space<vmem>>
      tpu.wait_dma2 semaphore(%run_scoped3A : memref<!tpu.dma_semaphore, #tpu.memory_space<semaphore_mem>>) src(%arg4 : memref<3xf32, #tpu.memory_space<hbm>>) dst(%dma_wait3A_211 : memref<3xf32, #tpu.memory_space<vmem>>)
      tpu.yield
    }) : () -> ()
    %iota3A = tpu.iota {dimensions = array<i32: 0>} : vector<16xi32>
    %lt3A = arith.constant 3 : i32
    %lt3A_8 = vector.broadcast %lt3A : i32 to vector<16xi32>
    %lt3A_9 = arith.cmpi slt, %iota3A, %lt3A_8 : vector<16xi32>
    %get3A = arith.constant 0 : index
    %get3A_10 = tpu.vector_load %arg11[%get3A] {strides = array<i32>} : memref<16xf32, #tpu.memory_space<vmem>>, vector<16xf32>,
    %jit3A = arith.constant 1.000000e+00 : f32
    %broadcast_in_dim3A = vector.broadcast %jit3A : f32 to vector<16xf32>
    %select_n3A = arith.select %lt3A_9, %get3A_10, %broadcast_in_dim3A : vector<16xi1>, vector<16xf32>
    %bitcast_convert_type3A = tpu.bitcast %select_n3A : vector<16xf32> -> vector<16xi32>
    %shift_right_arithmetic3A = arith.constant 23 : i32
    %shift_right_arithmetic3A_11 = vector.broadcast %shift_right_arithmetic3A : i32 to vector<16xi32>
    %shift_right_arithmetic3A_12 = arith.shrsi %bitcast_convert_type3A, %shift_right_arithmetic3A_11 : vector<16xi32>
    %and3A = arith.constant 255 : i32
    %and3A_13 = vector.broadcast %and3A : i32 to vector<16xi32>
    %and3A_14 = arith.andi %shift_right_arithmetic3A_12, %and3A_13 : vector<16xi32>
    %sub3A = arith.constant 127 : i32
    %sub3A_15 = vector.broadcast %sub3A : i32 to vector<16xi32>
    %sub3A_16 = arith.subi %and3A_14, %sub3A_15 : vector<16xi32>
    %and3A_17 = arith.constant 8388607 : i32
    %and3A_18 = vector.broadcast %and3A_17 : i32 to vector<16xi32>
    %and3A_19 = arith.andi %bitcast_convert_type3A, %and3A_18 : vector<16xi32>
    %or3A = arith.constant 1065353216 : i32
    %or3A_20 = vector.broadcast %or3A : i32 to vector<16xi32>
    %or3A_21 = arith.ori %and3A_19, %or3A_20 : vector<16xi32>
    %bitcast_convert_type3A_22 = tpu.bitcast %or3A_21 : vector<16xi32> -> vector<16xf32>
    %gt3A = arith.constant 1.41421354 : f32
    %gt3A_23 = vector.broadcast %gt3A : f32 to vector<16xf32>
    %gt3A_24 = arith.cmpf ogt, %bitcast_convert_type3A_22, %gt3A_23 : vector<16xf32>
    %mul3A_25 = arith.constant 5.000000e-01 : f32
    %mul3A_26 = vector.broadcast %mul3A_25 : f32 to vector<16xf32>
    %mul3A_27 = arith.mulf %bitcast_convert_type3A_22, %mul3A_26 : vector<16xf32>
    %select_n3A_28 = arith.select %gt3A_24, %mul3A_27, %bitcast_convert_type3A_22 : vector<16xi1>, vector<16xf32>
    %jit3A_29 = arith.constant 1 : i32
    %jit3A_30 = arith.constant 0 : i32
    %broadcast_in_dim3A_31 = vector.broadcast %jit3A_29 : i32 to vector<16xi32>
    %broadcast_in_dim3A_32 = vector.broadcast %jit3A_30 : i32 to vector<16xi32>
    %select_n3A_33 = arith.select %gt3A_24, %broadcast_in_dim3A_31, %broadcast_in_dim3A_32 : vector<16xi1>, vector<16xi32>
    %add3A_34 = arith.addi %sub3A_16, %select_n3A_33 : vector<16xi32>
    %sub3A_35 = arith.constant 1.000000e+00 : f32
    %sub3A_36 = vector.broadcast %sub3A_35 : f32 to vector<16xf32>
    %sub3A_37 = arith.subf %select_n3A_28, %sub3A_36 : vector<16xf32>
    %add3A_38 = arith.constant 1.000000e+00 : f32
    %add3A_39 = vector.broadcast %add3A_38 : f32 to vector<16xf32>
    %add3A_40 = arith.addf %select_n3A_28, %add3A_39 : vector<16xf32>
    %div3A = arith.divf %sub3A_37, %add3A_40 : vector<16xf32>
    %mul3A_41 = arith.mulf %div3A, %div3A : vector<16xf32>
    %mul3A_42 = arith.constant 0.222222224 : f32
    %mul3A_43 = vector.broadcast %mul3A_42 : f32 to vector<16xf32>
    %mul3A_44 = arith.mulf %mul3A_41, %mul3A_43 : vector<16xf32>
    %add3A_45 = arith.constant 0.285714298 : f32
    %add3A_46 = vector.broadcast %add3A_45 : f32 to vector<16xf32>
    %add3A_47 = arith.addf %add3A_46, %mul3A_44 : vector<16xf32>
    %mul3A_48 = arith.mulf %mul3A_41, %add3A_47 : vector<16xf32>
    %add3A_49 = arith.constant 4.000000e-01 : f32
    %add3A_50 = vector.broadcast %add3A_49 : f32 to vector<16xf32>
    %add3A_51 = arith.addf %add3A_50, %mul3A_48 : vector<16xf32>
    %mul3A_52 = arith.mulf %mul3A_41, %add3A_51 : vector<16xf32>
    %add3A_53 = arith.constant 0.666666686 : f32
    %add3A_54 = vector.broadcast %add3A_53 : f32 to vector<16xf32>
    %add3A_55 = arith.addf %add3A_54, %mul3A_52 : vector<16xf32>
    %mul3A_56 = arith.mulf %mul3A_41, %add3A_55 : vector<16xf32>
    %add3A_57 = arith.constant 2.000000e+00 : f32
    %add3A_58 = vector.broadcast %add3A_57 : f32 to vector<16xf32>
    %add3A_59 = arith.addf %add3A_58, %mul3A_56 : vector<16xf32>
    %mul3A_60 = arith.mulf %div3A, %add3A_59 : vector<16xf32>
    %convert_element_type3A = arith.sitofp %add3A_34 : vector<16xi32> to vector<16xf32>
    %mul3A_61 = arith.constant 0.693147182 : f32
    %mul3A_62 = vector.broadcast %mul3A_61 : f32 to vector<16xf32>
    %mul3A_63 = arith.mulf %convert_element_type3A, %mul3A_62 : vector<16xf32>
    %add3A_64 = arith.addf %mul3A_63, %mul3A_60 : vector<16xf32>
    %lt3A_65 = arith.constant 6 : i32
    %lt3A_66 = vector.broadcast %lt3A_65 : i32 to vector<16xi32>
    %lt3A_67 = arith.cmpi slt, %iota3A, %lt3A_66 : vector<16xi32>
    %get3A_68 = arith.constant 0 : index
    %get3A_69 = tpu.vector_load %arg10[%get3A_68] {strides = array<i32>} : memref<16xi32, #tpu.memory_space<vmem>>, vector<16xi32>,
    %jit3A_70 = arith.constant 0 : i32
    %broadcast_in_dim3A_71 = vector.broadcast %jit3A_70 : i32 to vector<16xi32>
    %select_n3A_72 = arith.select %lt3A_67, %get3A_69, %broadcast_in_dim3A_71 : vector<16xi1>, vector<16xi32>
    %eq3A = arith.constant 0 : i32
    %eq3A_73 = vector.broadcast %eq3A : i32 to vector<16xi32>
    %eq3A_74 = arith.cmpi eq, %iota3A, %eq3A_73 : vector<16xi32>
    %jit3A_75 = arith.constant 0.000000e+00 : f32
    %broadcast_in_dim3A_76 = vector.broadcast %jit3A_75 : f32 to vector<16xf32>
    %select_n3A_77 = arith.select %eq3A_74, %add3A_64, %broadcast_in_dim3A_76 : vector<16xi1>, vector<16xf32>
    %reduce_sum3A = arith.constant true
    %reduce_sum3A_78 = vector.broadcast %reduce_sum3A : i1 to vector<16xi1>
    %reduce_sum3A_79 = tpu.scan <sum>, %select_n3A_77 masked %reduce_sum3A_78 : vector<16xf32>, vector<16xi1> -> vector<16xf32>
    %reduce_sum3A_80 = vector.extract %reduce_sum3A_79[15] : f32 from vector<16xf32>
    %eq3A_81 = arith.constant 1 : i32
    %eq3A_82 = vector.broadcast %eq3A_81 : i32 to vector<16xi32>
    %eq3A_83 = arith.cmpi eq, %iota3A, %eq3A_82 : vector<16xi32>
    %jit3A_84 = arith.constant 0.000000e+00 : f32
    %broadcast_in_dim3A_85 = vector.broadcast %jit3A_84 : f32 to vector<16xf32>
    %select_n3A_86 = arith.select %eq3A_83, %add3A_64, %broadcast_in_dim3A_85 : vector<16xi1>, vector<16xf32>
    %reduce_sum3A_87 = arith.constant true
    %reduce_sum3A_88 = vector.broadcast %reduce_sum3A_87 : i1 to vector<16xi1>
    %reduce_sum3A_89 = tpu.scan <sum>, %select_n3A_86 masked %reduce_sum3A_88 : vector<16xf32>, vector<16xi1> -> vector<16xf32>
    %reduce_sum3A_90 = vector.extract %reduce_sum3A_89[15] : f32 from vector<16xf32>
    %eq3A_91 = arith.constant 2 : i32
    %eq3A_92 = vector.broadcast %eq3A_91 : i32 to vector<16xi32>
    %eq3A_93 = arith.cmpi eq, %iota3A, %eq3A_92 : vector<16xi32>
    %jit3A_94 = arith.constant 0.000000e+00 : f32
    %broadcast_in_dim3A_95 = vector.broadcast %jit3A_94 : f32 to vector<16xf32>
    %select_n3A_96 = arith.select %eq3A_93, %add3A_64, %broadcast_in_dim3A_95 : vector<16xi1>, vector<16xf32>
    %reduce_sum3A_97 = arith.constant true
    %reduce_sum3A_98 = vector.broadcast %reduce_sum3A_97 : i1 to vector<16xi1>
    %reduce_sum3A_99 = tpu.scan <sum>, %select_n3A_96 masked %reduce_sum3A_98 : vector<16xf32>, vector<16xi1> -> vector<16xf32>
    %reduce_sum3A_100 = vector.extract %reduce_sum3A_99[15] : f32 from vector<16xf32>
    %broadcast_in_dim3A_101 = vector.broadcast %reduce_sum3A_80 : f32 to vector<16xf32>
    %broadcast_in_dim3A_102 = arith.constant 0x7FC00000 : f32
    %broadcast_in_dim3A_103 = vector.broadcast %broadcast_in_dim3A_102 : f32 to vector<16xf32>
    %eq3A_104 = arith.constant 0 : i32
    %eq3A_105 = vector.broadcast %eq3A_104 : i32 to vector<16xi32>
    %eq3A_106 = arith.cmpi eq, %iota3A, %eq3A_105 : vector<16xi32>
    %jit3A_107 = arith.constant 0 : i32
    %broadcast_in_dim3A_108 = vector.broadcast %jit3A_107 : i32 to vector<16xi32>
    %select_n3A_109 = arith.select %eq3A_106, %select_n3A_72, %broadcast_in_dim3A_108 : vector<16xi1>, vector<16xi32>
    %reduce_sum3A_110 = arith.constant true
    %reduce_sum3A_111 = vector.broadcast %reduce_sum3A_110 : i1 to vector<16xi1>
    %reduce_sum3A_112 = tpu.scan <sum>, %select_n3A_109 masked %reduce_sum3A_111 : vector<16xi32>, vector<16xi1> -> vector<16xi32>
    %reduce_sum3A_113 = vector.extract %reduce_sum3A_112[15] : i32 from vector<16xi32>
    %eq3A_114 = arith.constant 6 : i32
    %eq3A_115 = arith.cmpi eq, %reduce_sum3A_113, %eq3A_114 : i32
    %select_n3A_116 = arith.select %eq3A_115, %reduce_sum3A_90, %reduce_sum3A_100 : f32
    %broadcast_in_dim3A_117 = vector.broadcast %select_n3A_116 : f32 to vector<16xf32>
    %eq3A_118 = arith.constant 1 : i32
    %eq3A_119 = vector.broadcast %eq3A_118 : i32 to vector<16xi32>
    %eq3A_120 = arith.cmpi eq, %iota3A, %eq3A_119 : vector<16xi32>
    %jit3A_121 = arith.constant 0 : i32
    %broadcast_in_dim3A_122 = vector.broadcast %jit3A_121 : i32 to vector<16xi32>
    %select_n3A_123 = arith.select %eq3A_120, %select_n3A_72, %broadcast_in_dim3A_122 : vector<16xi1>, vector<16xi32>
    %reduce_sum3A_124 = arith.constant true
    %reduce_sum3A_125 = vector.broadcast %reduce_sum3A_124 : i1 to vector<16xi1>
    %reduce_sum3A_126 = tpu.scan <sum>, %select_n3A_123 masked %reduce_sum3A_125 : vector<16xi32>, vector<16xi1> -> vector<16xi32>
    %reduce_sum3A_127 = vector.extract %reduce_sum3A_126[15] : i32 from vector<16xi32>
    %eq3A_128 = arith.constant 6 : i32
    %eq3A_129 = arith.cmpi eq, %reduce_sum3A_127, %eq3A_128 : i32
    %select_n3A_130 = arith.select %eq3A_129, %reduce_sum3A_90, %reduce_sum3A_100 : f32
    %broadcast_in_dim3A_131 = vector.broadcast %select_n3A_130 : f32 to vector<16xf32>
    %eq3A_132 = arith.constant 2 : i32
    %eq3A_133 = vector.broadcast %eq3A_132 : i32 to vector<16xi32>
    %eq3A_134 = arith.cmpi eq, %iota3A, %eq3A_133 : vector<16xi32>
    %jit3A_135 = arith.constant 0 : i32
    %broadcast_in_dim3A_136 = vector.broadcast %jit3A_135 : i32 to vector<16xi32>
    %select_n3A_137 = arith.select %eq3A_134, %select_n3A_72, %broadcast_in_dim3A_136 : vector<16xi1>, vector<16xi32>
    %reduce_sum3A_138 = arith.constant true
    %reduce_sum3A_139 = vector.broadcast %reduce_sum3A_138 : i1 to vector<16xi1>
    %reduce_sum3A_140 = tpu.scan <sum>, %select_n3A_137 masked %reduce_sum3A_139 : vector<16xi32>, vector<16xi1> -> vector<16xi32>
    %reduce_sum3A_141 = vector.extract %reduce_sum3A_140[15] : i32 from vector<16xi32>
    %eq3A_142 = arith.constant 6 : i32
    %eq3A_143 = arith.cmpi eq, %reduce_sum3A_141, %eq3A_142 : i32
    %select_n3A_144 = arith.select %eq3A_143, %reduce_sum3A_90, %reduce_sum3A_100 : f32
    %broadcast_in_dim3A_145 = vector.broadcast %select_n3A_144 : f32 to vector<16xf32>
    %eq3A_146 = arith.constant 3 : i32
    %eq3A_147 = vector.broadcast %eq3A_146 : i32 to vector<16xi32>
    %eq3A_148 = arith.cmpi eq, %iota3A, %eq3A_147 : vector<16xi32>
    %jit3A_149 = arith.constant 0 : i32
    %broadcast_in_dim3A_150 = vector.broadcast %jit3A_149 : i32 to vector<16xi32>
    %select_n3A_151 = arith.select %eq3A_148, %select_n3A_72, %broadcast_in_dim3A_150 : vector<16xi1>, vector<16xi32>
    %reduce_sum3A_152 = arith.constant true
    %reduce_sum3A_153 = vector.broadcast %reduce_sum3A_152 : i1 to vector<16xi1>
    %reduce_sum3A_154 = tpu.scan <sum>, %select_n3A_151 masked %reduce_sum3A_153 : vector<16xi32>, vector<16xi1> -> vector<16xi32>
    %reduce_sum3A_155 = vector.extract %reduce_sum3A_154[15] : i32 from vector<16xi32>
    %eq3A_156 = arith.constant 6 : i32
    %eq3A_157 = arith.cmpi eq, %reduce_sum3A_155, %eq3A_156 : i32
    %select_n3A_158 = arith.select %eq3A_157, %reduce_sum3A_90, %reduce_sum3A_100 : f32
    %broadcast_in_dim3A_159 = vector.broadcast %select_n3A_158 : f32 to vector<16xf32>
    %eq3A_160 = arith.constant 4 : i32
    %eq3A_161 = vector.broadcast %eq3A_160 : i32 to vector<16xi32>
    %eq3A_162 = arith.cmpi eq, %iota3A, %eq3A_161 : vector<16xi32>
    %jit3A_163 = arith.constant 0 : i32
    %broadcast_in_dim3A_164 = vector.broadcast %jit3A_163 : i32 to vector<16xi32>
    %select_n3A_165 = arith.select %eq3A_162, %select_n3A_72, %broadcast_in_dim3A_164 : vector<16xi1>, vector<16xi32>
    %reduce_sum3A_166 = arith.constant true
    %reduce_sum3A_167 = vector.broadcast %reduce_sum3A_166 : i1 to vector<16xi1>
    %reduce_sum3A_168 = tpu.scan <sum>, %select_n3A_165 masked %reduce_sum3A_167 : vector<16xi32>, vector<16xi1> -> vector<16xi32>
    %reduce_sum3A_169 = vector.extract %reduce_sum3A_168[15] : i32 from vector<16xi32>
    %eq3A_170 = arith.constant 6 : i32
    %eq3A_171 = arith.cmpi eq, %reduce_sum3A_169, %eq3A_170 : i32
    %select_n3A_172 = arith.select %eq3A_171, %reduce_sum3A_90, %reduce_sum3A_100 : f32
    %broadcast_in_dim3A_173 = vector.broadcast %select_n3A_172 : f32 to vector<16xf32>
    %eq3A_174 = arith.constant 5 : i32
    %eq3A_175 = vector.broadcast %eq3A_174 : i32 to vector<16xi32>
    %eq3A_176 = arith.cmpi eq, %iota3A, %eq3A_175 : vector<16xi32>
    %jit3A_177 = arith.constant 0 : i32
    %broadcast_in_dim3A_178 = vector.broadcast %jit3A_177 : i32 to vector<16xi32>
    %select_n3A_179 = arith.select %eq3A_176, %select_n3A_72, %broadcast_in_dim3A_178 : vector<16xi1>, vector<16xi32>
    %reduce_sum3A_180 = arith.constant true
    %reduce_sum3A_181 = vector.broadcast %reduce_sum3A_180 : i1 to vector<16xi1>
    %reduce_sum3A_182 = tpu.scan <sum>, %select_n3A_179 masked %reduce_sum3A_181 : vector<16xi32>, vector<16xi1> -> vector<16xi32>
    %reduce_sum3A_183 = vector.extract %reduce_sum3A_182[15] : i32 from vector<16xi32>
    %eq3A_184 = arith.constant 6 : i32
    %eq3A_185 = arith.cmpi eq, %reduce_sum3A_183, %eq3A_184 : i32
    %select_n3A_186 = arith.select %eq3A_185, %reduce_sum3A_90, %reduce_sum3A_100 : f32
    %broadcast_in_dim3A_187 = vector.broadcast %select_n3A_186 : f32 to vector<16xf32>
    %scan3A = arith.constant 0 : i32
    %scan3A_188 = arith.constant 0 : i32
    %scan3A_189 = arith.constant 8 : i32
    %scan3A_190 = arith.addi %scan3A_188, %scan3A_189 : i32
    %scan3A_191 = arith.constant 1 : i32
    scf.for %scan3A_204 = %scan3A_188 to %scan3A_190 step %scan3A_191  : i32 {
      %mul3A_205 = arith.constant 2 : i32
      %mul3A_206 = arith.muli %mul3A_205, %scan3A_204 : i32
      %mul3A_207 = arith.constant 4096 : i32
      %mul3A_208 = arith.muli %mul3A_206, %mul3A_207 : i32
      %add3A_209 = arith.addi %mul3A_2, %mul3A_208 : i32
      %dma_wait3A_210 = tpu.memref_slice %arg2[%add3A_209] : memref<2097152xi32, #tpu.memory_space<hbm>> -> memref<4096xi32, #tpu.memory_space<hbm>>
      %dma_wait3A_211 = tpu.memref_slice %arg2[%add3A_209] : memref<2097152xi32, #tpu.memory_space<hbm>> -> memref<4096xi32, #tpu.memory_space<hbm>>
      tpu.wait_dma2 semaphore(%arg12 : memref<!tpu.dma_semaphore, #tpu.memory_space<semaphore_mem>>) src(%dma_wait3A_211 : memref<4096xi32, #tpu.memory_space<hbm>>) dst(%arg6 : memref<4096xi32, #tpu.memory_space<vmem>>)
      %ge3A = arith.constant 2 : i32
      %ge3A_212 = arith.cmpi sge, %mul3A_206, %ge3A : i32
      %convert_element_type3A_213 = arith.extui %ge3A_212 : i1 to i32
      %cond3A = arith.constant 0 : i32
      %cond3A_214 = arith.cmpi ne, %convert_element_type3A_213, %cond3A : i32
      scf.if %cond3A_214 {
        %sub3A_256 = arith.constant 8192 : i32
        %sub3A_257 = arith.subi %add3A_209, %sub3A_256 : i32
        %dma_wait3A_258 = arith.constant 0 : i32
        %dma_wait3A_259 = tpu.memref_slice %arg5[%dma_wait3A_258, %sub3A_257] : memref<6x2097152xf32, #tpu.memory_space<hbm>> -> memref<6x4096xf32, #tpu.memory_space<hbm>>
        %dma_wait3A_260 = arith.constant 0 : i32
        %dma_wait3A_261 = tpu.memref_slice %arg5[%dma_wait3A_260, %sub3A_257] : memref<6x2097152xf32, #tpu.memory_space<hbm>> -> memref<6x4096xf32, #tpu.memory_space<hbm>>
        tpu.wait_dma2 semaphore(%arg14 : memref<!tpu.dma_semaphore, #tpu.memory_space<semaphore_mem>>) src(%arg8 : memref<6x4096xf32, #tpu.memory_space<vmem>>) dst(%dma_wait3A_261 : memref<6x4096xf32, #tpu.memory_space<hbm>>)
      } else {
      }
      %parallel_loop3A = arith.constant 0 : i32
      %parallel_loop3A_215 = arith.constant 256 : i32
      %parallel_loop3A_216 = arith.constant 1 : i32
      scf.for %parallel_loop3A_256 = %parallel_loop3A to %parallel_loop3A_215 step %parallel_loop3A_216  : i32 {
        %parallel_loop3A_257 = arith.constant 16 : i32
        %parallel_loop3A_258 = arith.muli %parallel_loop3A_257, %parallel_loop3A_256 : i32
        %parallel_loop3A_259 = arith.index_cast %parallel_loop3A_258 : i32 to index
        %parallel_loop3A_260 = tpu.vector_load %arg6[%parallel_loop3A_259] {strides = array<i32>} : memref<4096xi32, #tpu.memory_space<vmem>>, vector<16xi32>,
        %parallel_loop3A_261 = arith.constant 2 : i32
        %parallel_loop3A_262 = vector.broadcast %parallel_loop3A_261 : i32 to vector<16xi32>
        %parallel_loop3A_263 = arith.cmpi eq, %parallel_loop3A_260, %parallel_loop3A_262 : vector<16xi32>
        %parallel_loop3A_264 = arith.constant 0 : i32
        %parallel_loop3A_265 = vector.broadcast %parallel_loop3A_264 : i32 to vector<16xi32>
        %parallel_loop3A_266 = arith.cmpi eq, %parallel_loop3A_260, %parallel_loop3A_265 : vector<16xi32>
        %parallel_loop3A_267 = arith.select %parallel_loop3A_266, %broadcast_in_dim3A_103, %broadcast_in_dim3A_101 : vector<16xi1>, vector<16xf32>
        %parallel_loop3A_268 = arith.select %parallel_loop3A_263, %broadcast_in_dim3A_117, %parallel_loop3A_267 : vector<16xi1>, vector<16xf32>
        %parallel_loop3A_269 = arith.constant 16 : i32
        %parallel_loop3A_270 = arith.muli %parallel_loop3A_269, %parallel_loop3A_256 : i32
        %parallel_loop3A_271 = arith.constant 0 : i32
        %parallel_loop3A_272 = arith.index_cast %parallel_loop3A_271 : i32 to index
        %parallel_loop3A_273 = arith.index_cast %parallel_loop3A_270 : i32 to index
        %parallel_loop3A_274 = tpu.vector_load %arg8[%parallel_loop3A_272, %parallel_loop3A_273] {strides = array<i32>} : memref<6x4096xf32, #tpu.memory_space<vmem>>, vector<16xf32>,
        tpu.vector_store %arg8[%parallel_loop3A_272, %parallel_loop3A_273], %parallel_loop3A_268 {strides = array<i32>} : memref<6x4096xf32, #tpu.memory_space<vmem>>, vector<16xf32>,
        %parallel_loop3A_275 = arith.select %parallel_loop3A_263, %broadcast_in_dim3A_131, %parallel_loop3A_267 : vector<16xi1>, vector<16xf32>
        %parallel_loop3A_276 = arith.constant 16 : i32
        %parallel_loop3A_277 = arith.muli %parallel_loop3A_276, %parallel_loop3A_256 : i32
        %parallel_loop3A_278 = arith.constant 1 : i32
        %parallel_loop3A_279 = arith.index_cast %parallel_loop3A_278 : i32 to index
        %parallel_loop3A_280 = arith.index_cast %parallel_loop3A_277 : i32 to index
        %parallel_loop3A_281 = tpu.vector_load %arg8[%parallel_loop3A_279, %parallel_loop3A_280] {strides = array<i32>} : memref<6x4096xf32, #tpu.memory_space<vmem>>, vector<16xf32>,
        tpu.vector_store %arg8[%parallel_loop3A_279, %parallel_loop3A_280], %parallel_loop3A_275 {strides = array<i32>} : memref<6x4096xf32, #tpu.memory_space<vmem>>, vector<16xf32>,
        %parallel_loop3A_282 = arith.select %parallel_loop3A_263, %broadcast_in_dim3A_145, %parallel_loop3A_267 : vector<16xi1>, vector<16xf32>
        %parallel_loop3A_283 = arith.constant 16 : i32
        %parallel_loop3A_284 = arith.muli %parallel_loop3A_283, %parallel_loop3A_256 : i32
        %parallel_loop3A_285 = arith.constant 2 : i32
        %parallel_loop3A_286 = arith.index_cast %parallel_loop3A_285 : i32 to index
        %parallel_loop3A_287 = arith.index_cast %parallel_loop3A_284 : i32 to index
        %parallel_loop3A_288 = tpu.vector_load %arg8[%parallel_loop3A_286, %parallel_loop3A_287] {strides = array<i32>} : memref<6x4096xf32, #tpu.memory_space<vmem>>, vector<16xf32>,
        tpu.vector_store %arg8[%parallel_loop3A_286, %parallel_loop3A_287], %parallel_loop3A_282 {strides = array<i32>} : memref<6x4096xf32, #tpu.memory_space<vmem>>, vector<16xf32>,
        %parallel_loop3A_289 = arith.select %parallel_loop3A_263, %broadcast_in_dim3A_159, %parallel_loop3A_267 : vector<16xi1>, vector<16xf32>
        %parallel_loop3A_290 = arith.constant 16 : i32
        %parallel_loop3A_291 = arith.muli %parallel_loop3A_290, %parallel_loop3A_256 : i32
        %parallel_loop3A_292 = arith.constant 3 : i32
        %parallel_loop3A_293 = arith.index_cast %parallel_loop3A_292 : i32 to index
        %parallel_loop3A_294 = arith.index_cast %parallel_loop3A_291 : i32 to index
        %parallel_loop3A_295 = tpu.vector_load %arg8[%parallel_loop3A_293, %parallel_loop3A_294] {strides = array<i32>} : memref<6x4096xf32, #tpu.memory_space<vmem>>, vector<16xf32>,
        tpu.vector_store %arg8[%parallel_loop3A_293, %parallel_loop3A_294], %parallel_loop3A_289 {strides = array<i32>} : memref<6x4096xf32, #tpu.memory_space<vmem>>, vector<16xf32>,
        %parallel_loop3A_296 = arith.select %parallel_loop3A_263, %broadcast_in_dim3A_173, %parallel_loop3A_267 : vector<16xi1>, vector<16xf32>
        %parallel_loop3A_297 = arith.constant 16 : i32
        %parallel_loop3A_298 = arith.muli %parallel_loop3A_297, %parallel_loop3A_256 : i32
        %parallel_loop3A_299 = arith.constant 4 : i32
        %parallel_loop3A_300 = arith.index_cast %parallel_loop3A_299 : i32 to index
        %parallel_loop3A_301 = arith.index_cast %parallel_loop3A_298 : i32 to index
        %parallel_loop3A_302 = tpu.vector_load %arg8[%parallel_loop3A_300, %parallel_loop3A_301] {strides = array<i32>} : memref<6x4096xf32, #tpu.memory_space<vmem>>, vector<16xf32>,
        tpu.vector_store %arg8[%parallel_loop3A_300, %parallel_loop3A_301], %parallel_loop3A_296 {strides = array<i32>} : memref<6x4096xf32, #tpu.memory_space<vmem>>, vector<16xf32>,
        %parallel_loop3A_303 = arith.select %parallel_loop3A_263, %broadcast_in_dim3A_187, %parallel_loop3A_267 : vector<16xi1>, vector<16xf32>
        %parallel_loop3A_304 = arith.constant 16 : i32
        %parallel_loop3A_305 = arith.muli %parallel_loop3A_304, %parallel_loop3A_256 : i32
        %parallel_loop3A_306 = arith.constant 5 : i32
        %parallel_loop3A_307 = arith.index_cast %parallel_loop3A_306 : i32 to index
        %parallel_loop3A_308 = arith.index_cast %parallel_loop3A_305 : i32 to index
        %parallel_loop3A_309 = tpu.vector_load %arg8[%parallel_loop3A_307, %parallel_loop3A_308] {strides = array<i32>} : memref<6x4096xf32, #tpu.memory_space<vmem>>, vector<16xf32>,
        tpu.vector_store %arg8[%parallel_loop3A_307, %parallel_loop3A_308], %parallel_loop3A_303 {strides = array<i32>} : memref<6x4096xf32, #tpu.memory_space<vmem>>, vector<16xf32>,
      } {sc.loop_unroll_factor = 1 : i64, sc.parallel_access}
      %add3A_217 = arith.constant 2 : i32
      %add3A_218 = arith.addi %mul3A_206, %add3A_217 : i32
      %lt3A_219 = arith.constant 16 : i32
      %lt3A_220 = arith.cmpi slt, %add3A_218, %lt3A_219 : i32
      %convert_element_type3A_221 = arith.extui %lt3A_220 : i1 to i32
      %cond3A_222 = arith.constant 0 : i32
      %cond3A_223 = arith.cmpi ne, %convert_element_type3A_221, %cond3A_222 : i32
      scf.if %cond3A_223 {
        %add3A_256 = arith.constant 8192 : i32
        %add3A_257 = arith.addi %add3A_209, %add3A_256 : i32
        %dma_start3A_258 = tpu.memref_slice %arg2[%add3A_257] : memref<2097152xi32, #tpu.memory_space<hbm>> -> memref<4096xi32, #tpu.memory_space<hbm>>
        %dma_start3A_259 = tpu.memref_slice %arg2[%add3A_257] : memref<2097152xi32, #tpu.memory_space<hbm>> -> memref<4096xi32, #tpu.memory_space<hbm>>
        tpu.enqueue_dma source(%dma_start3A_259 : memref<4096xi32, #tpu.memory_space<hbm>>) target(%arg6 : memref<4096xi32, #tpu.memory_space<vmem>>) target_semaphore(%arg12 : memref<!tpu.dma_semaphore, #tpu.memory_space<semaphore_mem>>)
      } else {
      }
      %dma_start3A_224 = arith.constant 0 : i32
      %dma_start3A_225 = tpu.memref_slice %arg5[%dma_start3A_224, %add3A_209] : memref<6x2097152xf32, #tpu.memory_space<hbm>> -> memref<6x4096xf32, #tpu.memory_space<hbm>>
      %dma_start3A_226 = arith.constant 0 : i32
      %dma_start3A_227 = tpu.memref_slice %arg5[%dma_start3A_226, %add3A_209] : memref<6x2097152xf32, #tpu.memory_space<hbm>> -> memref<6x4096xf32, #tpu.memory_space<hbm>>
      tpu.enqueue_dma source(%arg8 : memref<6x4096xf32, #tpu.memory_space<vmem>>) target(%dma_start3A_227 : memref<6x4096xf32, #tpu.memory_space<hbm>>) target_semaphore(%arg14 : memref<!tpu.dma_semaphore, #tpu.memory_space<semaphore_mem>>)
      %mul3A_228 = arith.constant 2 : i32
      %mul3A_229 = arith.muli %mul3A_228, %scan3A_204 : i32
      %add3A_230 = arith.constant 1 : i32
      %add3A_231 = arith.addi %mul3A_229, %add3A_230 : i32
      %mul3A_232 = arith.constant 4096 : i32
      %mul3A_233 = arith.muli %add3A_231, %mul3A_232 : i32
      %add3A_234 = arith.addi %mul3A_2, %mul3A_233 : i32
      %dma_wait3A_235 = tpu.memref_slice %arg2[%add3A_234] : memref<2097152xi32, #tpu.memory_space<hbm>> -> memref<4096xi32, #tpu.memory_space<hbm>>
      %dma_wait3A_236 = tpu.memref_slice %arg2[%add3A_234] : memref<2097152xi32, #tpu.memory_space<hbm>> -> memref<4096xi32, #tpu.memory_space<hbm>>
      tpu.wait_dma2 semaphore(%arg13 : memref<!tpu.dma_semaphore, #tpu.memory_space<semaphore_mem>>) src(%dma_wait3A_236 : memref<4096xi32, #tpu.memory_space<hbm>>) dst(%arg7 : memref<4096xi32, #tpu.memory_space<vmem>>)
      %ge3A_237 = arith.constant 2 : i32
      %ge3A_238 = arith.cmpi sge, %add3A_231, %ge3A_237 : i32
      %convert_element_type3A_239 = arith.extui %ge3A_238 : i1 to i32
      %cond3A_240 = arith.constant 0 : i32
      %cond3A_241 = arith.cmpi ne, %convert_element_type3A_239, %cond3A_240 : i32
      scf.if %cond3A_241 {
        %sub3A_256 = arith.constant 8192 : i32
        %sub3A_257 = arith.subi %add3A_234, %sub3A_256 : i32
        %dma_wait3A_258 = arith.constant 0 : i32
        %dma_wait3A_259 = tpu.memref_slice %arg5[%dma_wait3A_258, %sub3A_257] : memref<6x2097152xf32, #tpu.memory_space<hbm>> -> memref<6x4096xf32, #tpu.memory_space<hbm>>
        %dma_wait3A_260 = arith.constant 0 : i32
        %dma_wait3A_261 = tpu.memref_slice %arg5[%dma_wait3A_260, %sub3A_257] : memref<6x2097152xf32, #tpu.memory_space<hbm>> -> memref<6x4096xf32, #tpu.memory_space<hbm>>
        tpu.wait_dma2 semaphore(%arg15 : memref<!tpu.dma_semaphore, #tpu.memory_space<semaphore_mem>>) src(%arg9 : memref<6x4096xf32, #tpu.memory_space<vmem>>) dst(%dma_wait3A_261 : memref<6x4096xf32, #tpu.memory_space<hbm>>)
      } else {
      }
      %parallel_loop3A_242 = arith.constant 0 : i32
      %parallel_loop3A_243 = arith.constant 256 : i32
      %parallel_loop3A_244 = arith.constant 1 : i32
      scf.for %parallel_loop3A_256 = %parallel_loop3A_242 to %parallel_loop3A_243 step %parallel_loop3A_244  : i32 {
        %parallel_loop3A_257 = arith.constant 16 : i32
        %parallel_loop3A_258 = arith.muli %parallel_loop3A_257, %parallel_loop3A_256 : i32
        %parallel_loop3A_259 = arith.index_cast %parallel_loop3A_258 : i32 to index
        %parallel_loop3A_260 = tpu.vector_load %arg7[%parallel_loop3A_259] {strides = array<i32>} : memref<4096xi32, #tpu.memory_space<vmem>>, vector<16xi32>,
        %parallel_loop3A_261 = arith.constant 2 : i32
        %parallel_loop3A_262 = vector.broadcast %parallel_loop3A_261 : i32 to vector<16xi32>
        %parallel_loop3A_263 = arith.cmpi eq, %parallel_loop3A_260, %parallel_loop3A_262 : vector<16xi32>
        %parallel_loop3A_264 = arith.constant 0 : i32
        %parallel_loop3A_265 = vector.broadcast %parallel_loop3A_264 : i32 to vector<16xi32>
        %parallel_loop3A_266 = arith.cmpi eq, %parallel_loop3A_260, %parallel_loop3A_265 : vector<16xi32>
        %parallel_loop3A_267 = arith.select %parallel_loop3A_266, %broadcast_in_dim3A_103, %broadcast_in_dim3A_101 : vector<16xi1>, vector<16xf32>
        %parallel_loop3A_268 = arith.select %parallel_loop3A_263, %broadcast_in_dim3A_117, %parallel_loop3A_267 : vector<16xi1>, vector<16xf32>
        %parallel_loop3A_269 = arith.constant 16 : i32
        %parallel_loop3A_270 = arith.muli %parallel_loop3A_269, %parallel_loop3A_256 : i32
        %parallel_loop3A_271 = arith.constant 0 : i32
        %parallel_loop3A_272 = arith.index_cast %parallel_loop3A_271 : i32 to index
        %parallel_loop3A_273 = arith.index_cast %parallel_loop3A_270 : i32 to index
        %parallel_loop3A_274 = tpu.vector_load %arg9[%parallel_loop3A_272, %parallel_loop3A_273] {strides = array<i32>} : memref<6x4096xf32, #tpu.memory_space<vmem>>, vector<16xf32>,
        tpu.vector_store %arg9[%parallel_loop3A_272, %parallel_loop3A_273], %parallel_loop3A_268 {strides = array<i32>} : memref<6x4096xf32, #tpu.memory_space<vmem>>, vector<16xf32>,
        %parallel_loop3A_275 = arith.select %parallel_loop3A_263, %broadcast_in_dim3A_131, %parallel_loop3A_267 : vector<16xi1>, vector<16xf32>
        %parallel_loop3A_276 = arith.constant 16 : i32
        %parallel_loop3A_277 = arith.muli %parallel_loop3A_276, %parallel_loop3A_256 : i32
        %parallel_loop3A_278 = arith.constant 1 : i32
        %parallel_loop3A_279 = arith.index_cast %parallel_loop3A_278 : i32 to index
        %parallel_loop3A_280 = arith.index_cast %parallel_loop3A_277 : i32 to index
        %parallel_loop3A_281 = tpu.vector_load %arg9[%parallel_loop3A_279, %parallel_loop3A_280] {strides = array<i32>} : memref<6x4096xf32, #tpu.memory_space<vmem>>, vector<16xf32>,
        tpu.vector_store %arg9[%parallel_loop3A_279, %parallel_loop3A_280], %parallel_loop3A_275 {strides = array<i32>} : memref<6x4096xf32, #tpu.memory_space<vmem>>, vector<16xf32>,
        %parallel_loop3A_282 = arith.select %parallel_loop3A_263, %broadcast_in_dim3A_145, %parallel_loop3A_267 : vector<16xi1>, vector<16xf32>
        %parallel_loop3A_283 = arith.constant 16 : i32
        %parallel_loop3A_284 = arith.muli %parallel_loop3A_283, %parallel_loop3A_256 : i32
        %parallel_loop3A_285 = arith.constant 2 : i32
        %parallel_loop3A_286 = arith.index_cast %parallel_loop3A_285 : i32 to index
        %parallel_loop3A_287 = arith.index_cast %parallel_loop3A_284 : i32 to index
        %parallel_loop3A_288 = tpu.vector_load %arg9[%parallel_loop3A_286, %parallel_loop3A_287] {strides = array<i32>} : memref<6x4096xf32, #tpu.memory_space<vmem>>, vector<16xf32>,
        tpu.vector_store %arg9[%parallel_loop3A_286, %parallel_loop3A_287], %parallel_loop3A_282 {strides = array<i32>} : memref<6x4096xf32, #tpu.memory_space<vmem>>, vector<16xf32>,
        %parallel_loop3A_289 = arith.select %parallel_loop3A_263, %broadcast_in_dim3A_159, %parallel_loop3A_267 : vector<16xi1>, vector<16xf32>
        %parallel_loop3A_290 = arith.constant 16 : i32
        %parallel_loop3A_291 = arith.muli %parallel_loop3A_290, %parallel_loop3A_256 : i32
        %parallel_loop3A_292 = arith.constant 3 : i32
        %parallel_loop3A_293 = arith.index_cast %parallel_loop3A_292 : i32 to index
        %parallel_loop3A_294 = arith.index_cast %parallel_loop3A_291 : i32 to index
        %parallel_loop3A_295 = tpu.vector_load %arg9[%parallel_loop3A_293, %parallel_loop3A_294] {strides = array<i32>} : memref<6x4096xf32, #tpu.memory_space<vmem>>, vector<16xf32>,
        tpu.vector_store %arg9[%parallel_loop3A_293, %parallel_loop3A_294], %parallel_loop3A_289 {strides = array<i32>} : memref<6x4096xf32, #tpu.memory_space<vmem>>, vector<16xf32>,
        %parallel_loop3A_296 = arith.select %parallel_loop3A_263, %broadcast_in_dim3A_173, %parallel_loop3A_267 : vector<16xi1>, vector<16xf32>
        %parallel_loop3A_297 = arith.constant 16 : i32
        %parallel_loop3A_298 = arith.muli %parallel_loop3A_297, %parallel_loop3A_256 : i32
        %parallel_loop3A_299 = arith.constant 4 : i32
        %parallel_loop3A_300 = arith.index_cast %parallel_loop3A_299 : i32 to index
        %parallel_loop3A_301 = arith.index_cast %parallel_loop3A_298 : i32 to index
        %parallel_loop3A_302 = tpu.vector_load %arg9[%parallel_loop3A_300, %parallel_loop3A_301] {strides = array<i32>} : memref<6x4096xf32, #tpu.memory_space<vmem>>, vector<16xf32>,
        tpu.vector_store %arg9[%parallel_loop3A_300, %parallel_loop3A_301], %parallel_loop3A_296 {strides = array<i32>} : memref<6x4096xf32, #tpu.memory_space<vmem>>, vector<16xf32>,
        %parallel_loop3A_303 = arith.select %parallel_loop3A_263, %broadcast_in_dim3A_187, %parallel_loop3A_267 : vector<16xi1>, vector<16xf32>
        %parallel_loop3A_304 = arith.constant 16 : i32
        %parallel_loop3A_305 = arith.muli %parallel_loop3A_304, %parallel_loop3A_256 : i32
        %parallel_loop3A_306 = arith.constant 5 : i32
        %parallel_loop3A_307 = arith.index_cast %parallel_loop3A_306 : i32 to index
        %parallel_loop3A_308 = arith.index_cast %parallel_loop3A_305 : i32 to index
        %parallel_loop3A_309 = tpu.vector_load %arg9[%parallel_loop3A_307, %parallel_loop3A_308] {strides = array<i32>} : memref<6x4096xf32, #tpu.memory_space<vmem>>, vector<16xf32>,
        tpu.vector_store %arg9[%parallel_loop3A_307, %parallel_loop3A_308], %parallel_loop3A_303 {strides = array<i32>} : memref<6x4096xf32, #tpu.memory_space<vmem>>, vector<16xf32>,
      } {sc.loop_unroll_factor = 1 : i64, sc.parallel_access}
      %add3A_245 = arith.constant 2 : i32
      %add3A_246 = arith.addi %add3A_231, %add3A_245 : i32
      %lt3A_247 = arith.constant 16 : i32
      %lt3A_248 = arith.cmpi slt, %add3A_246, %lt3A_247 : i32
      %convert_element_type3A_249 = arith.extui %lt3A_248 : i1 to i32
      %cond3A_250 = arith.constant 0 : i32
      %cond3A_251 = arith.cmpi ne, %convert_element_type3A_249, %cond3A_250 : i32
      scf.if %cond3A_251 {
        %add3A_256 = arith.constant 8192 : i32
        %add3A_257 = arith.addi %add3A_234, %add3A_256 : i32
        %dma_start3A_258 = tpu.memref_slice %arg2[%add3A_257] : memref<2097152xi32, #tpu.memory_space<hbm>> -> memref<4096xi32, #tpu.memory_space<hbm>>
        %dma_start3A_259 = tpu.memref_slice %arg2[%add3A_257] : memref<2097152xi32, #tpu.memory_space<hbm>> -> memref<4096xi32, #tpu.memory_space<hbm>>
        tpu.enqueue_dma source(%dma_start3A_259 : memref<4096xi32, #tpu.memory_space<hbm>>) target(%arg7 : memref<4096xi32, #tpu.memory_space<vmem>>) target_semaphore(%arg13 : memref<!tpu.dma_semaphore, #tpu.memory_space<semaphore_mem>>)
      } else {
      }
      %dma_start3A_252 = arith.constant 0 : i32
      %dma_start3A_253 = tpu.memref_slice %arg5[%dma_start3A_252, %add3A_234] : memref<6x2097152xf32, #tpu.memory_space<hbm>> -> memref<6x4096xf32, #tpu.memory_space<hbm>>
      %dma_start3A_254 = arith.constant 0 : i32
      %dma_start3A_255 = tpu.memref_slice %arg5[%dma_start3A_254, %add3A_234] : memref<6x2097152xf32, #tpu.memory_space<hbm>> -> memref<6x4096xf32, #tpu.memory_space<hbm>>
      tpu.enqueue_dma source(%arg9 : memref<6x4096xf32, #tpu.memory_space<vmem>>) target(%dma_start3A_255 : memref<6x4096xf32, #tpu.memory_space<hbm>>) target_semaphore(%arg15 : memref<!tpu.dma_semaphore, #tpu.memory_space<semaphore_mem>>)
    }
    %scan3A_192 = arith.constant 8 : i32
    %add3A_193 = arith.constant 57344 : i32
    %add3A_194 = arith.addi %mul3A_2, %add3A_193 : i32
    %dma_wait3A = arith.constant 0 : i32
    %dma_wait3A_195 = tpu.memref_slice %arg5[%dma_wait3A, %add3A_194] : memref<6x2097152xf32, #tpu.memory_space<hbm>> -> memref<6x4096xf32, #tpu.memory_space<hbm>>
    %dma_wait3A_196 = arith.constant 0 : i32
    %dma_wait3A_197 = tpu.memref_slice %arg5[%dma_wait3A_196, %add3A_194] : memref<6x2097152xf32, #tpu.memory_space<hbm>> -> memref<6x4096xf32, #tpu.memory_space<hbm>>
    tpu.wait_dma2 semaphore(%arg14 : memref<!tpu.dma_semaphore, #tpu.memory_space<semaphore_mem>>) src(%arg8 : memref<6x4096xf32, #tpu.memory_space<vmem>>) dst(%dma_wait3A_197 : memref<6x4096xf32, #tpu.memory_space<hbm>>)
    %add3A_198 = arith.constant 61440 : i32
    %add3A_199 = arith.addi %mul3A_2, %add3A_198 : i32
    %dma_wait3A_200 = arith.constant 0 : i32
    %dma_wait3A_201 = tpu.memref_slice %arg5[%dma_wait3A_200, %add3A_199] : memref<6x2097152xf32, #tpu.memory_space<hbm>> -> memref<6x4096xf32, #tpu.memory_space<hbm>>
    %dma_wait3A_202 = arith.constant 0 : i32
    %dma_wait3A_203 = tpu.memref_slice %arg5[%dma_wait3A_202, %add3A_199] : memref<6x2097152xf32, #tpu.memory_space<hbm>> -> memref<6x4096xf32, #tpu.memory_space<hbm>>
    tpu.wait_dma2 semaphore(%arg15 : memref<!tpu.dma_semaphore, #tpu.memory_space<semaphore_mem>>) src(%arg9 : memref<6x4096xf32, #tpu.memory_space<vmem>>) dst(%dma_wait3A_203 : memref<6x4096xf32, #tpu.memory_space<hbm>>)
    return
  }
}

</mosaic_0001>

<sc_bundles>
// kernel: _expand.3.cloned.1.call-start
scs
__scs_entry_jumppad:
0x0: {  	(pc) =	sbr.rel $0x88, $3  }
0x1: {  	(tag) =	ssettag $0x0;
	lr =	simm.s32 $0x1  }
0x2: {  	[smem:$0x3F9E] =	sst lr;
	_ =	strace $0xD0000000  }
0x3: {  	_ = 	snop  }
0x4: {  	_ = 	snop  }
0x5: {  	_ = 	snop  }
0x6: {  	_ = 	snop  }
0x7: {  	_ = 	snop  }
__scs_overlays_trampoline_lowered:
0x8: {  	[smem:$0x3FAD] =	sst s0  }
0x9: {  	[smem:$0x3FAE] =	sst s1  }
0xa: {  	[smem:$0x3FAF] =	sst s2  }
0xb: {  	[smem:$0x3FB0] =	sst s3  }
0xc: {  	[smem:$0x3FB1] =	sst s4  }
0xd: {  	[smem:$0x3FB2] =	sst s5  }
0xe: {  	[smem:$0x3FB3] =	sst s6  }
0xf: {  	[smem:$0x3FB4] =	sst s7  }
0x10: {  	[smem:$0x3FB5] =	sst s8  }
0x11: {  	[smem:$0x3FB6] =	sst s9;
	s0 =	simm.s32 @!p0 $0x0  }
0x12: {  	s1 =	sld [smem:$0x3F9C];
	s0 =	simm.s32 @p0 $0x1  }
0x13: {  	[smem:$0x3FB7] =	sst s0;
	s0 =	simm.s32 @!p1 $0x0  }
0x14: {  	s2 =	sld [smem:$0x3F9B];
	s0 =	simm.s32 @p1 $0x1  }
0x15: {  	[smem:$0x3FB8] =	sst s0;
	s0 =	simm.s32 @!p2 $0x0  }
0x16: {  	s3 =	sld [smem:$0x3FDB];
	s0 =	simm.s32 @p2 $0x1  }
0x17: {  	s4 =	simm.s32 $0x1BF5;
	[smem:$0x3FBA] =	sst s0  }
0x18: {  	s0 =	sld [smem:$0x3F9D];
	_ =	swait.ge [sflag:s4], $0x0  }
0x19: {  	s7 =	sld [smem:$0x3F9E]  }
0x1a: {  	s8 =	sadd.s32 $0xFFFFE003, lr  }
0x1b: {  	s9 =	sadd.s32 $0xFFFFFEF7, lr;
	s5 =	simm.s32 $0xFFFFFFFF;
	p2 =	slt.u32 s8, $0xFFFFF086  }
0x1c: {  	p1 =	slt.u32 s9, $0xF7A;
	s5 =	simm.s32 @!p2 $0x0  }
0x1d: {  	s5 =	simm.s32 @p1 $0x1;
	p0 =	seq.s32 s7, s2  }
0x1e: {  	s7 =	smul.u32 @!p0 $0xF7A, s2;
	p2 =	seq.s32 @!p0 s5, $0x0  }
0x1f: {  	s9 =	smul.u32 $0xF7A, s1;
	s8 =	simm.s32 @!p0 $0x1BF5;
	p2 =	por !p2, p0  }
0x20: {  	[sflag:s8] =	ssyncset.s32 @!p0 $0xFFFFF086;
	s6 =	sadd.s32 @!p0 s3, s7;
	s7 =	simm.s32 @!p0 $0x108  }
0x21: {  	s3 =	sadd.s32 s3, s9;
	s6 =	sadd.s32 @!p0 $0x88, s6;
	s7 =	simm.s32 @p2 $0x1082  }
0x22: {  	[simem:s7], [sflag:s8] =	dma.local @!p0 [hbm:s6], $0xF7A  }
0x23: {  	s9 =	sor.u32 $0xD0000000, s2;
	s6 =	simm.s32 $0x108;
	_ =	swait.ge @!p0 [sflag:s8], $0x0  }
0x24: {  	s3 =	sadd.s32 $0x88, s3;
	s6 =	simm.s32 @!p1 $0x1082;
	[sflag:s4] =	ssyncset.s32 $0xFFFFF086  }
0x25: {  	[simem:s6], [sflag:s4] =	dma.local [hbm:s3], $0xF7A  }
0x26: {  	[smem:$0x3F9E] =	sst s1;
	(tag) =	ssettag s2;
	_ =	strace s9  }
0x27: {  	s1 =	sld [smem:$0x3FAE]  }
0x28: {  	s2 =	sld [smem:$0x3FAF]  }
0x29: {  	s4 =	sld [smem:$0x3FB1]  }
0x2a: {  	p0 =	seq.s32 s5, $0x0;
	s5 =	sld [smem:$0x3FB2]  }
0x2b: {  	s6 =	sld [smem:$0x3FB3]  }
0x2c: {  	s7 =	sld [smem:$0x3FB4]  }
0x2d: {  	s3 =	simm.s32 $0x108;
	s8 =	sld [smem:$0x3FB5]  }
0x2e: {  	s3 =	simm.s32 @!p0 $0x1082;
	s9 =	sld [smem:$0x3FB6]  }
0x2f: {  	lr =	sadd.s32 s0, s3;
	s0 =	sld [smem:$0x3FAD]  }
0x30: {  	s3 =	sld [smem:$0x3FB0]  }
0x31: {  	[smem:$0x3FB9] =	sst s10  }
0x32: {  	s10 =	sld [smem:$0x3FB7];
	_ =	sdelay $0x3  }
0x33: {  	p0 =	seq.s32 s10, $0x1;
	s10 =	sld [smem:$0x3FB9];
	_ =	sdelay $0x3  }
0x34: {  	[smem:$0x3FB9] =	sst s10  }
0x35: {  	s10 =	sld [smem:$0x3FB8];
	_ =	sdelay $0x3  }
0x36: {  	p1 =	seq.s32 s10, $0x1;
	s10 =	sld [smem:$0x3FB9];
	_ =	sdelay $0x3  }
0x37: {  	[smem:$0x3FB9] =	sst s10  }
0x38: {  	s10 =	sld [smem:$0x3FBA]  }
0x39: {  	_ = 	snop;
	(pc) =	sbr.ind lr, $3  }
0x3a: {  	_ = 	snop  }
0x3b: {  	_ = 	snop  }
0x3c: {  	p2 =	seq.s32 s10, $0x1;
	s10 =	sld [smem:$0x3FB9]  }
0x3d: {  	_ =	shalt  }
0x3e: {  	_ =	shalt  }
0x3f: {  	_ =	shalt  }
0x40: {  	_ =	shalt  }
0x41: {  	_ =	shalt  }
0x42: {  	_ =	shalt  }
0x43: {  	_ =	shalt  }
0x44: {  	_ =	shalt  }
0x45: {  	_ =	shalt  }
0x46: {  	_ =	shalt  }
0x47: {  	_ =	shalt  }
0x48: {  	_ =	shalt  }
0x49: {  	_ =	shalt  }
0x4a: {  	_ =	shalt  }
0x4b: {  	_ =	shalt  }
0x4c: {  	_ =	shalt  }
0x4d: {  	_ =	shalt  }
0x4e: {  	_ =	shalt  }
0x4f: {  	_ =	shalt  }
0x50: {  	_ =	shalt  }
0x51: {  	_ =	shalt  }
0x52: {  	_ =	shalt  }
0x53: {  	_ =	shalt  }
0x54: {  	_ =	shalt  }
0x55: {  	_ =	shalt  }
0x56: {  	_ =	shalt  }
0x57: {  	_ =	shalt  }
0x58: {  	_ =	shalt  }
0x59: {  	_ =	shalt  }
0x5a: {  	_ =	shalt  }
0x5b: {  	_ =	shalt  }
0x5c: {  	_ =	shalt  }
0x5d: {  	_ =	shalt  }
0x5e: {  	_ =	shalt  }
0x5f: {  	_ =	shalt  }
0x60: {  	_ =	shalt  }
0x61: {  	_ =	shalt  }
0x62: {  	_ =	shalt  }
0x63: {  	_ =	shalt  }
0x64: {  	_ =	shalt  }
0x65: {  	_ =	shalt  }
0x66: {  	_ =	shalt  }
0x67: {  	_ =	shalt  }
0x68: {  	_ =	shalt  }
0x69: {  	_ =	shalt  }
0x6a: {  	_ =	shalt  }
0x6b: {  	_ =	shalt  }
0x6c: {  	_ =	shalt  }
0x6d: {  	_ =	shalt  }
0x6e: {  	_ =	shalt  }
0x6f: {  	_ =	shalt  }
0x70: {  	_ =	shalt  }
0x71: {  	_ =	shalt  }
0x72: {  	_ =	shalt  }
0x73: {  	_ =	shalt  }
0x74: {  	_ =	shalt  }
0x75: {  	_ =	shalt  }
0x76: {  	_ =	shalt  }
0x77: {  	_ =	shalt  }
0x78: {  	_ =	shalt  }
0x79: {  	_ =	shalt  }
0x7a: {  	_ =	shalt  }
0x7b: {  	_ =	shalt  }
0x7c: {  	_ =	shalt  }
0x7d: {  	_ =	shalt  }
0x7e: {  	_ =	shalt  }
0x7f: {  	_ =	shalt  }
0x80: {  	_ =	shalt  }
0x81: {  	_ =	shalt  }
0x82: {  	_ =	shalt  }
0x83: {  	_ =	shalt  }
0x84: {  	_ =	shalt  }
0x85: {  	_ =	shalt  }
0x86: {  	_ =	shalt  }
0x87: {  	_ =	shalt  }
.Lfunc_end0:
.L_simem_size_0:
called_computation_lowered:
.L_overlay_start_0:
0x88: {  	s2 =	sld [smem:$0x3FD9]  }
0x89: {  	s3 =	sld [smem:$0x3FFE];
	_ =	sdelay $0x1  }
0x8a: {  	s1 =	srdreg.scid  }
0x8b: {  	s0 =	sand.u32 $0x1, s1  }
0x8c: {  	s18 =	sshll.u32 s0, $0xA;
	s2 =	sadd.s32 s3, s2  }
0x8d: {  	s2 =	sadd.s32 s2, s18  }
0x8e: {  	[smem:$0x3FC5] =	sst s2  }
0x8f: {  	_ = 	snop  }
0x90: {  	s2 =	sld [smem:$0x3FC9]  }
0x91: {  	s19 =	sld [smem:$0x3FC8]  }
0x92: {  	s4 =	sld [smem:$0x3FC7]  }
0x93: {  	s5 =	sld [smem:$0x3FD0];
	(tm) =	ssettm $0x1  }
0x94: {  	s6 =	sld [smem:$0x3FFB];
	_ =	sdelay $0x3  }
0x95: {  	_ =	strace s6  }
0x96: {  	s6 =	sld [smem:$0x3FFC];
	_ =	sdelay $0x3  }
0x97: {  	_ =	strace s6  }
0x98: {  	s6 =	sld [smem:$0x3FFD];
	_ =	sdelay $0x3  }
0x99: {  	_ =	strace s6  }
0x9a: {  	_ =	strace $0x8FFFFFFF  }
0x9b: {  	s20 =	sld [smem:$0x3FDB];
	_ =	sdelay $0x1  }
0x9c: {  	s7 =	simm.s32 $_scs_section_size  }
0x9d: {  	s8 =	simm.s32 $_size__tile_overlayer_lowered;
	s9 =	simm.s32 $_tile_overlayer_lowered  }
0x9e: {  	s23 =	simm.s32 $0x1BFF;
	s22 =	sshll.u32 s9, $0x1;
	s6 =	sadd.s32 s7, s20  }
0x9f: {  	s10 =	simm.s32 $0x0;
	s21 =	sshll.u32 s8, $0x1;
	s8 =	sadd.s32 s22, s6  }
0xa0: {  	[timem:s10], [sflag:s23] =	dma.local [hbm:s8], s21  }
0xa1: {  	_ =	swait.ge [sflag:s23], s21  }
0xa2: {  	s7 =	ssub.s32 $0x0, s21;
	[sflag:s23] =	ssyncset.done $0x0  }
0xa3: {  	[sflag:s23] =	ssyncadd.s32 s7;
	_ =	sdelay $0x1  }
0xa4: {  	s24 =	simm.s32 $0x1B8B  }
0xa5: {  	_ =	swait.ge [sflag:s24], $0x1  }
0xa6: {  	[sflag:s24] =	ssyncset.done $0x0  }
0xa7: {  	s25 =	simm.s32 $0x1B8E;
	[sflag:s24] =	ssyncadd.s32 $0xFFFFFFFF  }
0xa8: {  	s26 =	simm.s32 $execute0_lowered;
	[smem:$0x3FD2] =	sst s25  }
0xa9: {  	s7 =	sshll.u32 s26, $0x1;
	_ =	strace $0x80000046;
	[dreg:$0x1] =	wrdreg $0xFFFFFFFF  }
0xaa: {  	s28 =	simm.s32 $_size_execute0_lowered;
	s6 =	sadd.s32 s6, s7;
	[dreg:$0x0] =	wrdreg $0x0  }
0xab: {  	s7 =	sshll.u32 s28, $0x1;
	[dreg:$0x2] =	wrdreg s6  }
0xac: {  	[dreg:$0x3] =	wrdreg s7  }
0xad: {  	[dreg:$0x4] =	wrdreg $0xC0  }
0xae: {  	_ =	task [dreg:s10], $0x5FFFF  }
0xaf: {  	[dreg:$0x1] =	wrdreg $0xFFFFFFFF  }
0xb0: {  	[dreg:$0x0] =	wrdreg $0x60  }
0xb1: {  	[dreg:$0x2] =	wrdreg s2  }
0xb2: {  	[dreg:$0x3] =	wrdreg s19  }
0xb3: {  	[dreg:$0x4] =	wrdreg s4  }
0xb4: {  	[dreg:$0x5] =	wrdreg s5  }
0xb5: {  	[dreg:$0x6] =	wrdreg $0x9  }
0xb6: {  	_ =	task.clear_ibuf [dreg:s10], $0x7FFFF;
	_ =	strace $0x90000046  }
0xb7: {  	s29 =	simm.s32 $0x9;
	_ =	strace $0x80000048  }
0xb8: {  	_ =	swait.ge [sflag:s29], $0x1  }
0xb9: {  	[sflag:s29] =	ssyncadd.s32 $0xFFFFFFFF  }
0xba: {  	_ =	strace $0x90000048  }
0xbb: {  	_ =	sfence  }
0xbc: {  	s30 =	sld [smem:$0x0];
	_ =	sdelay $0x2  }
0xbd: {  	s31 =	sshll.u32 s1, $0xD;
	s1 =	sshrl.u32 s1, $0x2  }
0xbe: {  	s3 =	sand.u32 $0x4000, s31;
	s1 =	sadd.s32 s1, s30  }
0xbf: {  	s0 =	sor.u32 s3, s0;
	s1 =	sshll.u32 s1, $0x11  }
0xc0: {  	s0 =	sor.u32 s1, s0  }
0xc1: {  	s0 =	sadd.s32 $0x8F2B, s0  }
0xc2: {  	[sflag:s0] =	ssyncadd.remote.s32 $0x1  }
0xc3: {  	_ =	sfence.sel $0xFFFF  }
0xc4: {  	[dreg:$0x0] =	wrdreg $0xFFFFFFFF;
	(pc) =	sbr.abs _section_cstart, $3  }
0xc5: {  	[dreg:$0x1] =	wrdreg $0xFFFFFFFF  }
0xc6: {  	_ =	task.clear_ibuf [dreg:s10], $0x2FFFF;
	_ =	strace $0x9FFFFFFF  }
0xc7: {  	(tm) =	ssettm $0x7FFFFFFF  }
tec
execute0_lowered:
.L_overlay_start_1:
0x0: {  	(tag) =	ssettag $0x1  }
0x1: {  	s0 =	rddreg [dreg:$0x0]  }
0x2: {  	s1 =	rddreg [dreg:$0x1];
	vm0 =	vmmov $0x7;
	v0 =	vimm.s32 $0x0  }
0x3: {  	s4 =	srdreg.scid;
	s3 =	rddreg [dreg:$0x2];
	vm1 =	vmmov $0x3f;
	vm2 =	vmmov $0x1;
	vm4 =	vcmask $0x704  }
0x4: {  	s2 =	stileid.u32;
	s5 =	rddreg [dreg:$0x3];
	vm3 =	vcmask $0x308;
	vm5 =	vcmask $0x3F08;
	vm7 =	vcmask $0xB08;
	s11 =	simm.s32 $0x1000  }
0x5: {  	vm8 =	vcmask $0x3F0C;
	s12 =	simm.s32 $0x12000;
	s13 =	simm.s32 $0x5;
	s14 =	simm.s32 $0x12080;
	vm4 =	vmneg vm4;
	vm6 =	vmneg vm5  }
0x6: {  	vm9 =	vcmask $0x1310;
	vm10 =	vcmask $0x1714;
	s15 =	simm.s32 $0x1;
	s16 =	simm.s32 $0x2000;
	s17 =	simm.s32 $0x2;
	vm4 =	vmand vm6, vm4  }
0x7: {  	s18 =	simm.s32 $0xA000;
	s19 =	simm.s32 $0x3;
	s8 =	sand.u32 $0x1, s4;
	vm6 =	vmneg vm7;
	vm7 =	vmneg vm8;
	vm4 =	vmor vm5, vm4  }
0x8: {  	s20 =	simm.s32 $0x4;
	s6 =	sshll.u32 s2, $0x11;
	s7 =	sshll.u32 s8, $0x10;
	vm5 =	vmand vm7, vm6;
	vm6 =	vcmask $0xF0C;
	vm7 =	vcmask $0x3F10  }
0x9: {  	s21 =	simm.s32 $0x0;
	s9 =	ssub.s32 $0x2, s8;
	s6 =	sor.u32 s7, s6;
	vm5 =	vmor vm8, vm5;
	vm6 =	vmneg vm6;
	vm8 =	vmneg vm7  }
0xa: {  	vm9 =	vmneg vm9;
	s7 =	simm.s32 $0x0;
	s10 =	sshrl.u32 s9, $0x1;
	s31 =	sshrl.u32 s6, $0x3;
	vm8 =	vmand vm8, vm6;
	vm6 =	vmneg vm10  }
0xb: {  	vm11 =	vcmask $0x3F04;
	[smem:$0x7FF] =	sst s7;
	s10 =	ssub.s32 s9, s10;
	s8 =	sadd.s32 s0, s31;
	vm7 =	vmor vm7, vm8;
	vm12 =	vmand vm6, vm9  }
0xc: {  	_ =	strace $0x80000047;
	s10 =	smax.u32 s10, $0x1;
	s9 =	sadd.s32 $0x200, s8;
	vm8 =	vcmask $0x70C;
	vm9 =	vmneg vm11;
	vm10 =	vmor vm10, vm12  }
.LBB2_1:
0xd: {  	[tilespmem:s7], [sflag:$0x1] =	stream.linear.gather [hbm4b:s8+s7], $0x1000, $0x38;
	[tilespmem:$0x12100] =	vst v63  }
0xe: {  	_ = 	snop  }
0xf: {  	[tilespmem:s11], [sflag:$0x2] =	stream.linear.gather [hbm4b:s9+s7], $0x1000, $0x38;
	[tilespmem:$0x12100] =	vst v63  }
0x10: {  	_ = 	snop  }
0x11: {  	[tilespmem:s12], [sflag:$0x5] =	stream.linear.gather [hbm4b:s1+s7], $0x6, $0x38;
	[tilespmem:$0x12100] =	vst v63  }
0x12: {  	_ =	swait.ge [sflag:s13], $0x6  }
0x13: {  	[sflag:s13] =	ssyncset.done $0x0  }
0x14: {  	[sflag:s13] =	ssyncadd.s32 $0xFFFFFFFA  }
0x15: {  	[tilespmem:s14], [sflag:$0x5] =	stream.linear.gather [hbm4b:s3+s7], $0x3, $0x38;
	[tilespmem:$0x12100] =	vst v63  }
0x16: {  	_ =	swait.ge [sflag:s13], $0x3  }
0x17: {  	[sflag:s13] =	ssyncset.done $0x0  }
0x18: {  	[sflag:s13] =	ssyncadd.s32 $0xFFFFFFFD  }
0x19: {  	v1 =	vld [tilespmem:$0x12080];
	_ =	sdelay $0x4  }
0x1a: {  	v1 =	vnsel vm0, $0x3F800000, v1  }
0x1b: {  	v2 =	vand.u32 $0x7FFFFF, v1  }
0x1c: {  	v2 =	vor.u32 $0x3F800000, v2  }
0x1d: {  	v3 =	vmul.f32 $5.000000000e-01, v2  }
0x1e: {  	vm11 =	vgt.f32 v2, $1.414213540e+00  }
0x1f: {  	v2 =	vsel vm11, v3, v2  }
0x20: {  	v3 =	vadd.f32 $1.000000000e+00, v2;
	_ =	sdelay $0x1  }
0x21: {  	(erf) = vrcp.f32 v3;
	_ =	sdelay $0x7  }
0x22: {  	v2 =	vadd.f32 $-1.000000000e+00, v2  }
0x23: {  	v3 =	vpop (erf)  }
0x24: {  	v2 =	vmul.f32 v3, v2;
	_ =	sdelay $0x1  }
0x25: {  	v3 =	vmul.f32 v2, v2;
	_ =	sdelay $0x1  }
0x26: {  	v4 =	vmul.f32 $2.222222240e-01, v3;
	_ =	sdelay $0x1  }
0x27: {  	v4 =	vadd.f32 $2.857142980e-01, v4;
	_ =	sdelay $0x1  }
0x28: {  	v4 =	vmul.f32 v4, v3;
	_ =	sdelay $0x1  }
0x29: {  	v4 =	vadd.f32 $4.000000060e-01, v4;
	_ =	sdelay $0x1  }
0x2a: {  	v4 =	vmul.f32 v4, v3;
	_ =	sdelay $0x1  }
0x2b: {  	v1 =	vshrl.u32 v1, $0x17;
	v4 =	vadd.f32 $6.666666860e-01, v4  }
0x2c: {  	v1 =	vand.u32 $0xFF, v1;
	v5 =	vsel vm11, $0x1, v0  }
0x2d: {  	v1 =	vadd.s32 v5, v1;
	v3 =	vmul.f32 v4, v3  }
0x2e: {  	v1 =	vadd.s32 $0xFFFFFF81, v1  }
0x2f: {  	v1 =	vcvt.s32.f32 v1;
	v3 =	vadd.f32 $2.000000000e+00, v3;
	_ =	sdelay $0x1  }
0x30: {  	v1 =	vmul.f32 $6.931471820e-01, v1;
	v2 =	vmul.f32 v3, v2;
	_ =	sdelay $0x1  }
0x31: {  	v1 =	vadd.f32 v2, v1;
	_ =	sdelay $0x1  }
0x32: {  	v3 =	vld [tilespmem:$0x12000];
	v2 =	vnsel vm2, $0x0, v1  }
0x33: {  	(xrf2) =	vadd.scan.msk.f32 $0xffff, v2;
	v2 =	vsel vm3, $0x0, v1  }
0x34: {  	v1 =	vsel vm8, $0x0, v1;
	(xrf2) =	vadd.scan.msk.f32 $0xffff, v2  }
0x35: {  	(xrf2) =	vadd.scan.msk.f32 $0xffff, v1;
	_ =	sdelay $0x1  }
0x36: {  	v1 =	vnsel vm1, $0x0, v3  }
0x37: {  	v2 =	vnsel vm9, $0x0, v1  }
0x38: {  	(xrf0) =	vadd.scan.msk.s32 $0xffff, v2;
	v2 =	vsel vm4, $0x0, v1  }
0x39: {  	(xrf0) =	vadd.scan.msk.s32 $0xffff, v2;
	v2 =	vsel vm5, $0x0, v1  }
0x3a: {  	(xrf0) =	vadd.scan.msk.s32 $0xffff, v2;
	v2 =	vsel vm7, $0x0, v1  }
0x3b: {  	(xrf0) =	vadd.scan.msk.s32 $0xffff, v2;
	v2 =	vsel vm10, $0x0, v1  }
0x3c: {  	v4, _, _ =	vpop (xrf2)  }
0x3d: {  	v1 =	vsel vm6, $0x0, v1;
	v3, _, _ =	vpop (xrf2)  }
0x3e: {  	(xrf0) =	vadd.scan.msk.s32 $0xffff, v2;
	(v2sf) =	vpush v3, $0xF;
	v2, _, _ =	vpop (xrf2)  }
0x3f: {  	(v2sf) =	vpush v2, $0xF;
	v2, _, _ =	vpop (xrf0);
	(xrf0) =	vadd.scan.msk.s32 $0xffff, v1  }
0x40: {  	v1, _, _ =	vpop (xrf0);
	(v2sf) =	vpush v2, $0xF  }
0x41: {  	v2, _, _ =	vpop (xrf0);
	(v2sf) =	vpush v1, $0xF  }
0x42: {  	(v2sf) =	vpush v2, $0xF  }
0x43: {  	v1, _, _ =	vpop (xrf0)  }
0x44: {  	v2, _, _ =	vpop (xrf0);
	(v2sf) =	vpush v1, $0xF  }
0x45: {  	(v2sf) =	vpush v2, $0xF;
	v1, _, _ =	vpop (xrf0)  }
0x46: {  	(v2sf) =	vpush v1, $0xF;
	_ =	sdelay $0x6  }
0x47: {  	s22 =	spop (v2sf)  }
0x48: {  	s23 =	spop (v2sf)  }
0x49: {  	s24 =	spop (v2sf)  }
0x4a: {  	s25 =	spop (v2sf)  }
0x4b: {  	p0 =	seq.s32 s24, $0x6;
	s24 =	smov.u32 s23;
	s26 =	spop (v2sf)  }
0x4c: {  	p1 =	seq.s32 s25, $0x6;
	s25 =	smov.u32 s23;
	s24 =	smov.u32 @p0 s22  }
0x4d: {  	s28 =	spop (v2sf);
	s25 =	smov.u32 @p1 s22;
	p0 =	seq.s32 s26, $0x6  }
0x4e: {  	s26 =	smov.u32 s23;
	v1 =	vmov s24;
	s24 =	smov.u32 s23;
	s29 =	spop (v2sf)  }
0x4f: {  	p1 =	seq.s32 s28, $0x6;
	s28 =	smov.u32 s23;
	s31 =	spop (v2sf)  }
0x50: {  	s26 =	smov.u32 @p0 s22;
	p2 =	seq.s32 s29, $0x6;
	p0 =	seq.s32 s31, $0x6  }
0x51: {  	v4 =	vbroadcast v4, $0xF;
	v2 =	vmov s25;
	s28 =	smov.u32 @p1 s22;
	v3 =	vmov s26;
	s24 =	smov.u32 @p2 s22;
	s23 =	smov.u32 @p0 s22  }
0x52: {  	v5 =	vmov s28;
	v6 =	vmov s24;
	s22 =	simm.s32 $0x0;
	v7 =	vmov s23  }
.LBB2_2:
0x53: {  	_ =	swait.ge [sflag:s15], $0x1000  }
0x54: {  	p1 =	seq.s32 s22, $0x0;
	[sflag:s15] =	ssyncset.done $0x0  }
0x55: {  	s23 =	simm.s32 @!p1 $0x3;
	[sflag:s15] =	ssyncadd.s32 $0xFFFFF000  }
0x56: {  	_ =	swait.ge @!p1 [sflag:s23], $0x8000  }
0x57: {  	[sflag:s23] =	ssyncset.done @!p1 $0x0  }
0x58: {  	s30 =	simm.s32 $0x0;
	[sflag:s23] =	ssyncadd.s32 @!p1 $0xFFFF8000  }
0x59: {  	v9 =	vld [tilespmem:s30+$0x0];
	_ =	sdelay $0x4  }
0x5a: {  	s26 =	simm.s32 $0x10;
	vm11 =	veq.s32 v9, $0x0  }
0x5b: {  	s24 =	sand.u32 $0x70, s30;
	s23 =	sand.u32 $0x7C00, s30;
	v8 =	vld [tilespmem:s26+$0x0];
	vm12 =	veq.s32 v9, $0x2;
	v9 =	vsel vm11, $0x7FC00000, v4  }
0x5c: {  	s24 =	sor.u32 s24, s23;
	v10 =	vsel vm12, v7, v9  }
0x5d: {  	v11 =	vsel vm12, v1, v9;
	[tilespmem:s24+$0x2280] =	vst v10  }
0x5e: {  	v10 =	vsel vm12, v2, v9;
	[tilespmem:s24+$0x2000] =	vst v11  }
0x5f: {  	s31 =	sshll.u32 s22, $0xD;
	s25 =	simm.s32 $0x20;
	s28 =	simm.s32 $0x20;
	v11 =	vsel vm12, v3, v9;
	[tilespmem:s24+$0x2080] =	vst v10  }
0x60: {  	s29 =	sand.u32 $0x70, s26;
	s23 =	sor.u32 s6, s31;
	s26 =	simm.s32 $0x80;
	vm11 =	veq.s32 v8, $0x0;
	v10 =	vsel vm12, v5, v9;
	v9 =	vsel vm12, v6, v9;
	[tilespmem:s24+$0x2100] =	vst v11  }
.LBB2_3:
0x61: {  	p0 =	sne.s32 s25, $0xFF0  }
0x62: {  	vm12 =	veq.s32 v8, $0x2;
	v8 =	vld [tilespmem:s28+$0x0];
	v11 =	vsel vm11, $0x7FC00000, v4;
	s30 =	sand.u32 $0x7C00, s26;
	[tilespmem:s24+$0x2180] =	vst v10;
	s31 =	smov.u32 s25;
	s25 =	sadd.s32 $0x10, s25  }
.Ltmp0:
0x63: {  	v12 =	vsel vm12, v1, v11;
	v13 =	vsel vm12, v2, v11;
	v14 =	vsel vm12, v7, v11;
	[tilespmem:s24+$0x2200] =	vst v9;
	s24 =	sor.u32 s29, s30;
	(pc) =	sbr.rel @p0 .LBB2_3-.Ltmp0, $4  }
0x64: {  	v15 =	vsel vm12, v3, v11;
	v10 =	vsel vm12, v5, v11;
	v9 =	vsel vm12, v6, v11;
	[tilespmem:s24+$0x2280] =	vst v14  }
0x65: {  	[tilespmem:s24+$0x2000] =	vst v12  }
0x66: {  	[tilespmem:s24+$0x2080] =	vst v13  }
0x67: {  	s28 =	sadd.s32 $0x10, s28;
	s26 =	sadd.s32 $0x80, s26;
	s29 =	sand.u32 $0x70, s31;
	vm11 =	veq.s32 v8, $0x0;
	[tilespmem:s24+$0x2100] =	vst v15  }
0x68: {  	vm12 =	veq.s32 v8, $0x2;
	v8 =	vsel vm11, $0x7FC00000, v4;
	s25 =	sand.u32 $0x7C00, s26;
	[tilespmem:s24+$0x2180] =	vst v10  }
0x69: {  	[tilespmem:s24+$0x2200] =	vst v9;
	s25 =	sor.u32 s29, s25;
	v10 =	vsel vm12, v7, v8  }
0x6a: {  	v9 =	vsel vm12, v1, v8;
	[tilespmem:s25+$0x2280] =	vst v10  }
0x6b: {  	v10 =	vsel vm12, v2, v8;
	[tilespmem:s25+$0x2000] =	vst v9  }
0x6c: {  	p0 =	seq.s32 s22, $0x7;
	v9 =	vsel vm12, v3, v8;
	[tilespmem:s25+$0x2080] =	vst v10  }
0x6d: {  	s24 =	sshrl.u32 @!p0 s23, $0x3;
	v10 =	vsel vm12, v5, v8;
	[tilespmem:s25+$0x2100] =	vst v9  }
0x6e: {  	s24 =	sadd.s32 @!p0 s0, s24;
	v8 =	vsel vm12, v6, v8;
	[tilespmem:s25+$0x2180] =	vst v10  }
0x6f: {  	s26 =	simm.s32 @!p0 $0x0;
	[tilespmem:s25+$0x2200] =	vst v8;
	s25 =	sadd.s32 @!p0 $0x400, s24  }
0x70: {  	[tilespmem:s26], [sflag:$0x1] =	stream.linear.gather @!p0 [hbm4b:s25+s26], $0x1000, $0x38;
	[tilespmem:$0x12100] =	vst v63  }
0x71: {  	s26 =	sadd.s32 s5, s23  }
0x72: {  	[hbm4b:s26+s7] =	stream.linear.scatter [tilespmem:s16], [sflag:$0x3], $0x8000, $0x38;
	[tilespmem:$0x12100] =	vst v63  }
0x73: {  	_ =	swait.ge [sflag:s17], $0x1000  }
0x74: {  	[sflag:s17] =	ssyncset.done $0x0  }
0x75: {  	s25 =	simm.s32 @!p1 $0x4;
	[sflag:s17] =	ssyncadd.s32 $0xFFFFF000  }
0x76: {  	_ =	swait.ge @!p1 [sflag:s25], $0x8000  }
0x77: {  	[sflag:s25] =	ssyncset.done @!p1 $0x0  }
0x78: {  	s31 =	simm.s32 $0x1000;
	[sflag:s25] =	ssyncadd.s32 @!p1 $0xFFFF8000  }
0x79: {  	v9 =	vld [tilespmem:s31+$0x0];
	_ =	sdelay $0x4  }
0x7a: {  	s4 =	simm.s32 $0x0;
	s31 =	simm.s32 $0x1010;
	vm11 =	veq.s32 v9, $0x0  }
0x7b: {  	s28 =	sand.u32 $0x70, s4;
	s25 =	sand.u32 $0x7C00, s4;
	v8 =	vld [tilespmem:s31+$0x0];
	vm12 =	veq.s32 v9, $0x2;
	v9 =	vsel vm11, $0x7FC00000, v4  }
0x7c: {  	s25 =	sor.u32 s28, s25;
	v10 =	vsel vm12, v7, v9  }
0x7d: {  	v11 =	vsel vm12, v1, v9;
	[tilespmem:s25+$0xA280] =	vst v10  }
0x7e: {  	v10 =	vsel vm12, v2, v9;
	[tilespmem:s25+$0xA000] =	vst v11  }
0x7f: {  	s29 =	simm.s32 $0x1020;
	s23 =	sor.u32 $0x1000, s23;
	s28 =	simm.s32 $0x10;
	v11 =	vsel vm12, v3, v9;
	[tilespmem:s25+$0xA080] =	vst v10  }
0x80: {  	s26 =	simm.s32 $0x20;
	s30 =	sand.u32 $0x70, s28;
	s28 =	simm.s32 $0x80;
	vm11 =	veq.s32 v8, $0x0;
	v10 =	vsel vm12, v5, v9;
	v9 =	vsel vm12, v6, v9;
	[tilespmem:s25+$0xA100] =	vst v11  }
.LBB2_5:
0x81: {  	p1 =	sne.s32 s26, $0xFF0  }
0x82: {  	vm12 =	veq.s32 v8, $0x2;
	v8 =	vld [tilespmem:s29+$0x0];
	v11 =	vsel vm11, $0x7FC00000, v4;
	s31 =	sand.u32 $0x7C00, s28;
	[tilespmem:s25+$0xA180] =	vst v10;
	s4 =	smov.u32 s26;
	s26 =	sadd.s32 $0x10, s26  }
.Ltmp1:
0x83: {  	v12 =	vsel vm12, v1, v11;
	v13 =	vsel vm12, v2, v11;
	v14 =	vsel vm12, v7, v11;
	[tilespmem:s25+$0xA200] =	vst v9;
	s25 =	sor.u32 s30, s31;
	(pc) =	sbr.rel @p1 .LBB2_5-.Ltmp1, $4  }
0x84: {  	v15 =	vsel vm12, v3, v11;
	v10 =	vsel vm12, v5, v11;
	v9 =	vsel vm12, v6, v11;
	[tilespmem:s25+$0xA280] =	vst v14  }
0x85: {  	[tilespmem:s25+$0xA000] =	vst v12  }
0x86: {  	[tilespmem:s25+$0xA080] =	vst v13  }
0x87: {  	s29 =	sadd.s32 $0x10, s29;
	s28 =	sadd.s32 $0x80, s28;
	s30 =	sand.u32 $0x70, s4;
	vm11 =	veq.s32 v8, $0x0;
	[tilespmem:s25+$0xA100] =	vst v15  }
0x88: {  	vm12 =	veq.s32 v8, $0x2;
	v8 =	vsel vm11, $0x7FC00000, v4;
	s4 =	sand.u32 $0x7C00, s28;
	[tilespmem:s25+$0xA180] =	vst v10  }
0x89: {  	[tilespmem:s25+$0xA200] =	vst v9;
	s4 =	sor.u32 s30, s4;
	v59 =	vsel vm12, v7, v8  }
0x8a: {  	v60 =	vsel vm12, v1, v8;
	[tilespmem:s4+$0xA280] =	vst v59  }
0x8b: {  	v61 =	vsel vm12, v2, v8;
	[tilespmem:s4+$0xA000] =	vst v60  }
0x8c: {  	v62 =	vsel vm12, v3, v8;
	[tilespmem:s4+$0xA080] =	vst v61  }
0x8d: {  	v63 =	vsel vm12, v5, v8;
	[tilespmem:s4+$0xA100] =	vst v62  }
0x8e: {  	s25 =	simm.s32 @!p0 $0x1000;
	v8 =	vsel vm12, v6, v8;
	[tilespmem:s4+$0xA180] =	vst v63  }
0x8f: {  	s22 =	sadd.s32 $0x1, s22;
	[tilespmem:s4+$0xA200] =	vst v8;
	s4 =	sadd.s32 @!p0 $0x600, s24;
	s24 =	simm.s32 @!p0 $0x0  }
0x90: {  	[tilespmem:s25], [sflag:$0x2] =	stream.linear.gather @!p0 [hbm4b:s4+s24], $0x1000, $0x38;
	[tilespmem:$0x12100] =	vst v63  }
0x91: {  	p0 =	sne.s32 s22, $0x8  }
.Ltmp2:
0x92: {  	_ = 	snop;
	(pc) =	sbr.rel @p0 .LBB2_2-.Ltmp2, $3  }
0x93: {  	_ =	sdelay $0x1  }
0x94: {  	s31 =	sadd.s32 s5, s23  }
0x95: {  	[hbm4b:s31+s7] =	stream.linear.scatter [tilespmem:s18], [sflag:$0x4], $0x8000, $0x38;
	[tilespmem:$0x12100] =	vst v63  }
0x96: {  	s21 =	sadd.s32 $0x1, s21  }
0x97: {  	_ =	swait.ge [sflag:s19], $0x8000;
	p0 =	sne.s32 s21, s10  }
.Ltmp3:
0x98: {  	[sflag:s19] =	ssyncset.done $0x0;
	(pc) =	sbr.rel @p0 .LBB2_1-.Ltmp3, $4  }
0x99: {  	[sflag:s19] =	ssyncadd.s32 $0xFFFF8000  }
0x9a: {  	_ =	swait.ge [sflag:s20], $0x8000  }
0x9b: {  	[sflag:s20] =	ssyncset.done $0x0  }
0x9c: {  	[sflag:s20] =	ssyncadd.s32 $0xFFFF8000  }
0x9d: {  	_ =	sfence.sel $0x180000  }
0x9e: {  	[bflag:$0x0] =	sbarrier.arrive $0xFFFF  }
0x9f: {  	_ =	strace $0x90000047  }
0xa0: {  	[bflag:$0x2] =	sbarrier.arrive $0xFFFF  }
0xa1: {  	p0 =	sne.s32 s2, $0x0;
	s0 =	rddreg [dreg:$0x4]  }
0xa2: {  	s0 =	sadd.s32 @!p0 $0x100000, s0  }
0xa3: {  	[sflag:s0] =	ssyncadd.tile.s32 @!p0 $0x1;
	_ =	shalt  }
.Lfunc_end2:
_tile_overlayer_lowered:
.L_overlay_start_2:
0xa4: {  	(tag) =	ssettag $0x2  }
0xa5: {  	s0 =	rddreg [dreg:$0x0];
	s2 =	stileid.u32  }
0xa6: {  	s1 =	rddreg [dreg:$0x1];
	p0 =	sne.s32 s2, $0x0  }
0xa7: {  	s3 =	rddreg [dreg:$0x2];
	[bflag:$0x3] =	sbarrier.arrive $0xFFFF;
	s2 =	simm.s32 @!p0 $0x1C05  }
0xa8: {  	[timem:s3], [sflag:s2] =	dma.local @!p0 [hbm:s0], s1  }
0xa9: {  	s0 =	simm.s32 @!p0 $0x5  }
0xaa: {  	_ =	swait.ge @!p0 [sflag:s0], s1  }
0xab: {  	s1 =	ssub.s32 @!p0 $0x0, s1;
	[sflag:s0] =	ssyncset.done @!p0 $0x0  }
0xac: {  	[sflag:s0] =	ssyncadd.s32 @!p0 s1  }
0xad: {  	[bflag:$0x3] =	sbarrier.arrive $0xFFFF  }
0xae: {  	_ =	shalt  }

</sc_bundles>
